<compile_context>
chip_gen: v7x
topology: tpu7x:2x2x1
jax: 0.10.2.dev20260603
libtpu: 0.0.44.dev20260713+nightly
codegen_flags: <defaults>
</compile_context>

<pallas_src>
import functools

import jax
import jax.numpy as jnp
from jax import lax
from jax.experimental import pallas as pl
from jax.experimental.pallas import tpu as pltpu
from jax.experimental.pallas import tpu_sc as plsc

_NC = 2
_NS = 16
_NW = _NC * _NS
_K = 64
_BR = 128
_D = 64
_DP = 2 * _D


def _bcast_attn(a):
    H, C = a.shape
    eye = jnp.eye(H, dtype=a.dtype)
    blk = a[:, :, None, None] * eye[:, None, :, None]
    blk = jnp.broadcast_to(blk, (H, C, H, C))
    return blk.reshape(H * C, H * C)


def _prep1_body(x_ref, w_ref, as_ref, ad_ref, gd_ref):
    h = jnp.dot(x_ref[...], w_ref[...], preferred_element_type=jnp.float32)
    bs = jnp.dot(h, as_ref[...], preferred_element_type=jnp.float32)
    bd = jnp.dot(h, ad_ref[...], preferred_element_type=jnp.float32)
    gd_ref[0] = jnp.concatenate([h, bs], axis=1)
    gd_ref[1] = jnp.concatenate([bd, bd], axis=1)


def _mid_body(acc_ref, b_ref, w_ref, as_ref, ad_ref, gd_ref):
    s = acc_ref[0] + acc_ref[1]
    h1 = s[:, :_D] / (s[:, _D:] + 1e-16) + b_ref[...]
    h1 = jnp.where(h1 > 0, h1, jnp.exp(jnp.minimum(h1, 0.0)) - 1.0)
    h2 = jnp.dot(h1, w_ref[...], preferred_element_type=jnp.float32)
    bs = jnp.dot(h2, as_ref[...], preferred_element_type=jnp.float32)
    bd = jnp.dot(h2, ad_ref[...], preferred_element_type=jnp.float32)
    gd_ref[0] = jnp.concatenate([h2, bs], axis=1)
    gd_ref[1] = jnp.concatenate([bd, bd], axis=1)


def _final_body(acc_ref, b_ref, o_ref):
    s = acc_ref[0] + acc_ref[1]
    o_ref[...] = s[:, :_D] / (s[:, _D:] + 1e-16) + b_ref[...]


@functools.lru_cache(maxsize=None)
def _make_edge_kernel(npad, epw):
    stripe = npad // _NS
    nchunks = epw // _K
    mesh = plsc.VectorSubcoreMesh(core_axis_name="c", subcore_axis_name="s",
                                  num_cores=_NC, num_subcores=_NS)

    @functools.partial(
        pl.kernel,
        out_type=jax.ShapeDtypeStruct((_NC, npad, _DP), jnp.float32),
        mesh=mesh,
        scratch_types=[
            [pltpu.VMEM((2 * _K,), jnp.int32)] * 2,
            [pltpu.VMEM((_K,), jnp.int32)] * 2,
            [pltpu.VMEM((2 * _K, _DP), jnp.float32)] * 2,
            pltpu.VMEM((_DP,), jnp.float32),
            pltpu.VMEM_SHARED((npad, _DP), jnp.float32),
            [pltpu.SemaphoreType.DMA] * 2,
            [pltpu.SemaphoreType.DMA] * 2,
        ],
    )
    def edge_kernel(gidx_hbm, dst_hbm, gd_hbm, cv_hbm, z_hbm,
                    acc_out,
                    gidx, didx, gdv, cvv,
                    acc_sh, sem_g, sem_s):
        cid = lax.axis_index("c")
        sid = lax.axis_index("s")
        wid = sid * _NC + cid
        r0 = sid * stripe
        pltpu.sync_copy(z_hbm, acc_sh.at[pl.ds(r0, stripe)])
        pltpu.sync_copy(cv_hbm, cvv)
        plsc.subcore_barrier()

        cvs = [cvv[pl.ds(k * 16, 16)] for k in range(_D // 16)]
        cbase = wid * nchunks
        ebase = wid * epw

        def fetch(chunk, b):
            pltpu.sync_copy(gidx_hbm.at[pl.ds((cbase + chunk) * 2 * _K,
                                              2 * _K)], gidx[b])
            pltpu.async_copy(gd_hbm.at[gidx[b]], gdv[b], sem_g[b])

        fetch(0, 0)

        def drain_scatter(b):
            pltpu.make_async_copy(gd_hbm.at[pl.ds(0, _K)],
                                  acc_sh.at[pl.ds(0, _K)], sem_s[b]).wait()

        @pl.loop(0, nchunks, step=2)
        def _group(g):
            for b in range(2):
                cur = g + b
                pltpu.make_async_copy(gd_hbm.at[pl.ds(0, 2 * _K)], gdv[b],
                                      sem_g[b]).wait()

                @pl.when(cur >= 1)
                def _ds():
                    drain_scatter(1 - b)

                fetch(jnp.minimum(cur + 1, nchunks - 1), 1 - b)
                pltpu.sync_copy(dst_hbm.at[pl.ds(ebase + cur * _K, _K)],
                                didx[b])

                gvb = gdv[b]

                @pl.loop(0, _K)
                def _edge(i):
                    for k in range(_D // 16):
                        lo = pl.ds(k * 16, 16)
                        hi = pl.ds(_D + k * 16, 16)
                        e = gvb[i, hi] + gvb[_K + i, lo]
                        l = jnp.maximum(e, e * 0.2)
                        w = jnp.exp(l - cvs[k])
                        gvb[i, lo] = w * gvb[i, lo]
                        gvb[i, hi] = w

                pltpu.async_copy(gdv[b].at[pl.ds(0, _K)],
                                 acc_sh.at[didx[b]], sem_s[b], add=True)

        drain_scatter(1)
        pltpu.make_async_copy(gd_hbm.at[pl.ds(0, 2 * _K)], gdv[0],
                              sem_g[0]).wait()
        plsc.subcore_barrier()
        pltpu.sync_copy(acc_sh.at[pl.ds(r0, stripe)],
                        acc_out.at[cid, pl.ds(r0, stripe)])

    return edge_kernel


def _tc_prep1(x_pad, W1, As1, Ad1, npad, f_in):
    grid = (npad // _BR,)
    full = lambda shp: pl.BlockSpec(shp, lambda i: (0, 0))
    return pl.pallas_call(
        _prep1_body,
        grid=grid,
        in_specs=[pl.BlockSpec((_BR, f_in), lambda i: (i, 0)),
                  full((f_in, _D)), full((_D, _D)), full((_D, _D))],
        out_specs=pl.BlockSpec((2, _BR, _DP), lambda i: (0, i, 0)),
        out_shape=jax.ShapeDtypeStruct((2, npad, _DP), jnp.float32),
    )(x_pad, W1, As1, Ad1)


def _tc_mid(acc1, b1, W2, As2, Ad2, npad):
    grid = (npad // _BR,)
    big = pl.BlockSpec((_NC, _BR, _DP), lambda i: (0, i, 0))
    full = lambda shp: pl.BlockSpec(shp, lambda i: (0, 0))
    return pl.pallas_call(
        _mid_body,
        grid=grid,
        in_specs=[big, full((1, _D)),
                  full((_D, _D)), full((_D, _D)), full((_D, _D))],
        out_specs=pl.BlockSpec((2, _BR, _DP), lambda i: (0, i, 0)),
        out_shape=jax.ShapeDtypeStruct((2, npad, _DP), jnp.float32),
    )(acc1, b1.reshape(1, _D), W2, As2, Ad2)


def _tc_final(acc2, b2, npad):
    grid = (npad // _BR,)
    big = pl.BlockSpec((_NC, _BR, _DP), lambda i: (0, i, 0))
    full = lambda shp: pl.BlockSpec(shp, lambda i: (0, 0))
    return pl.pallas_call(
        _final_body,
        grid=grid,
        in_specs=[big, full((1, _D))],
        out_specs=pl.BlockSpec((_BR, _D), lambda i: (i, 0)),
        out_shape=jax.ShapeDtypeStruct((npad, _D), jnp.float32),
    )(acc2, b2.reshape(1, _D))


def kernel(x, edge_index, W1, a_src1, a_dst1, b1, W2, a_src2, a_dst2, b2):
    N, F_in = x.shape
    E = edge_index.shape[1]
    ET = E + N

    npad = ((N + 1 + _BR - 1) // _BR) * _BR
    stripe = npad // _NS

    epw = ((ET + _NW * 2 * _K - 1) // (_NW * 2 * _K)) * 2 * _K
    epad = _NW * epw

    loops = jnp.arange(N, dtype=jnp.int32)
    src = jnp.full((epad,), N, jnp.int32)
    src = src.at[:E].set(edge_index[0].astype(jnp.int32)).at[E:ET].set(loops)
    dst = jnp.full((epad,), N, jnp.int32)
    dst = dst.at[:E].set(edge_index[1].astype(jnp.int32)).at[E:ET].set(loops)

    gidx = jnp.concatenate([src.reshape(-1, _K),
                            dst.reshape(-1, _K) + npad], axis=1).reshape(-1)

    x_pad = jnp.zeros((npad, F_in), jnp.float32).at[:N].set(x)
    zeros = jnp.zeros((stripe, _DP), jnp.float32)

    As1 = _bcast_attn(a_src1)
    Ad1 = _bcast_attn(a_dst1)
    As2 = _bcast_attn(a_src2)
    Ad2 = _bcast_attn(a_dst2)

    edge_kernel = _make_edge_kernel(npad, epw)

    def cpad(gd):
        c = jnp.max(gd[0, :, _D:], axis=0) + jnp.max(gd[1, :, :_D], axis=0)
        return jnp.concatenate([c, jnp.zeros((_DP - _D,), jnp.float32)])

    GD1 = _tc_prep1(x_pad, W1, As1, Ad1, npad, F_in)
    acc1 = edge_kernel(gidx, dst, GD1.reshape(2 * npad, _DP), cpad(GD1), zeros)

    GD2 = _tc_mid(acc1, b1, W2, As2, Ad2, npad)
    acc2 = edge_kernel(gidx, dst, GD2.reshape(2 * npad, _DP), cpad(GD2), zeros)

    out = _tc_final(acc2, b2, npad)
    return out[:N]

# --- scband reference (transcript-rebuilt; emitter-appended) ---
"""Pipeline reference for scband-gat-76699525972342 (READ-ONLY COPY).

The authoritative reference and input builder live on the scoring server;
editing this copy changes nothing except your own understanding.
"""

import jax, jax.numpy as jnp
import numpy as np


def _gat_conv(x, src, dst, W, a_src, a_dst, b, H, C, concat):
    N = x.shape[0]
    h = (x @ W).reshape(N, H, C)
    alpha_s = (h * a_src).sum(-1)  # [N, H]
    alpha_d = (h * a_dst).sum(-1)  # [N, H]
    e = alpha_s[src] + alpha_d[dst]  # [E, H]
    e = jax.nn.leaky_relu(e, negative_slope=0.2)
    # softmax over incoming edges per destination node
    m = jax.ops.segment_max(e, dst, num_segments=N)
    ee = jnp.exp(e - m[dst])
    denom = jax.ops.segment_sum(ee, dst, num_segments=N)
    alpha = ee / (denom[dst] + 1e-16)
    msg = h[src] * alpha[:, :, None]  # [E, H, C]
    out = jax.ops.segment_sum(msg, dst, num_segments=N)  # [N, H, C]
    if concat:
        out = out.reshape(N, H * C)
    else:
        out = out.mean(axis=1)
    return out + b


def setup_inputs(seed: int = 0):
    key = jax.random.key(seed)
    ks = jax.random.split(key, 12)
    N, E, F_in = 10000, 320000, 128
    H1, C1 = 8, 8
    H2, C2 = 1, 64
    x = jax.random.normal(ks[0], (N, F_in), dtype=jnp.float32)
    edge_index = jax.random.randint(ks[1], (2, E), 0, N, dtype=jnp.int32)
    W1 = jax.random.normal(ks[2], (F_in, H1 * C1), dtype=jnp.float32) * (1.0 / np.sqrt(F_in))
    a_src1 = jax.random.normal(ks[3], (H1, C1), dtype=jnp.float32) * 0.1
    a_dst1 = jax.random.normal(ks[4], (H1, C1), dtype=jnp.float32) * 0.1
    b1 = jnp.zeros((H1 * C1,), dtype=jnp.float32)
    W2 = jax.random.normal(ks[5], (H1 * C1, H2 * C2), dtype=jnp.float32) * (1.0 / np.sqrt(H1 * C1))
    a_src2 = jax.random.normal(ks[6], (H2, C2), dtype=jnp.float32) * 0.1
    a_dst2 = jax.random.normal(ks[7], (H2, C2), dtype=jnp.float32) * 0.1
    b2 = jnp.zeros((C2,), dtype=jnp.float32)
    return {"x": x, "edge_index": edge_index, "W1": W1, "a_src1": a_src1,
            "a_dst1": a_dst1, "b1": b1, "W2": W2, "a_src2": a_src2,
            "a_dst2": a_dst2, "b2": b2}


def reference(x, edge_index, W1, a_src1, a_dst1, b1, W2, a_src2, a_dst2, b2):
    # GAT.encode in eval mode (dropout = identity).
    N = x.shape[0]
    # PyG GATConv adds self-loops by default.
    loops = jnp.arange(N, dtype=edge_index.dtype)
    src = jnp.concatenate([edge_index[0], loops])
    dst = jnp.concatenate([edge_index[1], loops])
    h = _gat_conv(x, src, dst, W1, a_src1, a_dst1, b1, 8, 8, True)
    h = jax.nn.elu(h)
    out = _gat_conv(h, src, dst, W2, a_src2, a_dst2, b2, 1, 64, False)
    return out

if __name__ == "__main__":
    import jax
    _d = setup_inputs()
    print(jax.jit(kernel)(*tuple(_d.values())))

</pallas_src>

<mosaic_0001>
#map = affine_map<(d0, d1) -> (0)>
#map1 = affine_map<(d0, d1) -> (0, 0)>
#map2 = affine_map<(d0, d1) -> (0, 0, 0)>
module attributes {stable_mosaic.version = 14 : i64} {
  func.func @edge_kernel(%arg0: i32, %arg1: i32, %arg2: memref<663552xi32, #tpu.memory_space<hbm>>, %arg3: memref<331776xi32, #tpu.memory_space<hbm>>, %arg4: memref<20224x128xf32, #tpu.memory_space<hbm>>, %arg5: memref<128xf32, #tpu.memory_space<hbm>>, %arg6: memref<632x128xf32, #tpu.memory_space<hbm>>, %arg7: memref<2x10112x128xf32, #tpu.memory_space<hbm>>, %arg8: memref<128xi32, #tpu.memory_space<vmem>>, %arg9: memref<128xi32, #tpu.memory_space<vmem>>, %arg10: memref<64xi32, #tpu.memory_space<vmem>>, %arg11: memref<64xi32, #tpu.memory_space<vmem>>, %arg12: memref<128x128xf32, #tpu.memory_space<vmem>>, %arg13: memref<128x128xf32, #tpu.memory_space<vmem>>, %arg14: memref<128xf32, #tpu.memory_space<vmem>>, %arg15: memref<10112x128xf32, #tpu.memory_space<vmem_shared>>, %arg16: memref<!tpu.dma_semaphore, #tpu.memory_space<semaphore_mem>>, %arg17: memref<!tpu.dma_semaphore, #tpu.memory_space<semaphore_mem>>, %arg18: memref<!tpu.dma_semaphore, #tpu.memory_space<semaphore_mem>>, %arg19: memref<!tpu.dma_semaphore, #tpu.memory_space<semaphore_mem>>) attributes {dimension_semantics = [#tpu.dimension_semantics<core_parallel>, #tpu.dimension_semantics<subcore_parallel>], iteration_bounds = array<i64: 2, 16>, scalar_prefetch = 0 : i64, scratch_operands = 12 : i64, tpu.core_type = #tpu.core_type<sc_vector_subcore>, window_params = [{transform_indices = #map}, {transform_indices = #map}, {transform_indices = #map1}, {transform_indices = #map}, {transform_indices = #map1}, {transform_indices = #map2}]} {
    %mul3A = arith.constant 2 : i32
    %mul3A_0 = arith.muli %arg1, %mul3A : i32
    %add3A = arith.addi %mul3A_0, %arg0 : i32
    %mul3A_1 = arith.constant 632 : i32
    %mul3A_2 = arith.muli %arg1, %mul3A_1 : i32
    "tpu.region"() ({
      %run_scoped3A = tpu.sem_alloc : memref<!tpu.dma_semaphore, #tpu.memory_space<semaphore_mem>>
      %dma_start3A_42 = arith.constant 0 : i32
      %dma_start3A_43 = tpu.memref_slice %arg15[%mul3A_2, %dma_start3A_42] : memref<10112x128xf32, #tpu.memory_space<vmem_shared>> -> memref<632x128xf32, #tpu.memory_space<vmem_shared>>
      tpu.enqueue_dma source(%arg6 : memref<632x128xf32, #tpu.memory_space<hbm>>) target(%dma_start3A_43 : memref<632x128xf32, #tpu.memory_space<vmem_shared>>) target_semaphore(%run_scoped3A : memref<!tpu.dma_semaphore, #tpu.memory_space<semaphore_mem>>)
      %dma_wait3A_44 = arith.constant 0 : i32
      %dma_wait3A_45 = tpu.memref_slice %arg15[%mul3A_2, %dma_wait3A_44] : memref<10112x128xf32, #tpu.memory_space<vmem_shared>> -> memref<632x128xf32, #tpu.memory_space<vmem_shared>>
      tpu.wait_dma2 semaphore(%run_scoped3A : memref<!tpu.dma_semaphore, #tpu.memory_space<semaphore_mem>>) src(%arg6 : memref<632x128xf32, #tpu.memory_space<hbm>>) dst(%dma_wait3A_45 : memref<632x128xf32, #tpu.memory_space<vmem_shared>>)
      tpu.yield
    }) : () -> ()
    "tpu.region"() ({
      %run_scoped3A = tpu.sem_alloc : memref<!tpu.dma_semaphore, #tpu.memory_space<semaphore_mem>>
      tpu.enqueue_dma source(%arg5 : memref<128xf32, #tpu.memory_space<hbm>>) target(%arg14 : memref<128xf32, #tpu.memory_space<vmem>>) target_semaphore(%run_scoped3A : memref<!tpu.dma_semaphore, #tpu.memory_space<semaphore_mem>>)
      tpu.wait_dma2 semaphore(%run_scoped3A : memref<!tpu.dma_semaphore, #tpu.memory_space<semaphore_mem>>) src(%arg5 : memref<128xf32, #tpu.memory_space<hbm>>) dst(%arg14 : memref<128xf32, #tpu.memory_space<vmem>>)
      tpu.yield
    }) : () -> ()
    %barrier3A = arith.constant 0 : index
    tpu.barrier barrier_id(%barrier3A)
    %get3A = arith.constant 0 : index
    %get3A_3 = tpu.vector_load %arg14[%get3A] {strides = array<i32>} : memref<128xf32, #tpu.memory_space<vmem>>, vector<16xf32>,
    %get3A_4 = vector.shape_cast %get3A_3 : vector<16xf32> to vector<16xf32>
    %get3A_5 = arith.constant 16 : index
    %get3A_6 = tpu.vector_load %arg14[%get3A_5] {strides = array<i32>} : memref<128xf32, #tpu.memory_space<vmem>>, vector<16xf32>,
    %get3A_7 = vector.shape_cast %get3A_6 : vector<16xf32> to vector<16xf32>
    %get3A_8 = arith.constant 32 : index
    %get3A_9 = tpu.vector_load %arg14[%get3A_8] {strides = array<i32>} : memref<128xf32, #tpu.memory_space<vmem>>, vector<16xf32>,
    %get3A_10 = vector.shape_cast %get3A_9 : vector<16xf32> to vector<16xf32>
    %get3A_11 = arith.constant 48 : index
    %get3A_12 = tpu.vector_load %arg14[%get3A_11] {strides = array<i32>} : memref<128xf32, #tpu.memory_space<vmem>>, vector<16xf32>,
    %get3A_13 = vector.shape_cast %get3A_12 : vector<16xf32> to vector<16xf32>
    %mul3A_14 = arith.constant 162 : i32
    %mul3A_15 = arith.muli %add3A, %mul3A_14 : i32
    %mul3A_16 = arith.constant 10368 : i32
    %mul3A_17 = arith.muli %add3A, %mul3A_16 : i32
    %add3A_18 = arith.constant 0 : i32
    %add3A_19 = arith.addi %mul3A_15, %add3A_18 : i32
    %mul3A_20 = arith.constant 2 : i32
    %mul3A_21 = arith.muli %add3A_19, %mul3A_20 : i32
    %mul3A_22 = arith.constant 64 : i32
    %mul3A_23 = arith.muli %mul3A_21, %mul3A_22 : i32
    "tpu.region"() ({
      %run_scoped3A = tpu.sem_alloc : memref<!tpu.dma_semaphore, #tpu.memory_space<semaphore_mem>>
      %dma_start3A_42 = tpu.memref_slice %arg2[%mul3A_23] : memref<663552xi32, #tpu.memory_space<hbm>> -> memref<128xi32, #tpu.memory_space<hbm>>
      %dma_start3A_43 = tpu.memref_slice %arg2[%mul3A_23] : memref<663552xi32, #tpu.memory_space<hbm>> -> memref<128xi32, #tpu.memory_space<hbm>>
      tpu.enqueue_dma source(%dma_start3A_43 : memref<128xi32, #tpu.memory_space<hbm>>) target(%arg8 : memref<128xi32, #tpu.memory_space<vmem>>) target_semaphore(%run_scoped3A : memref<!tpu.dma_semaphore, #tpu.memory_space<semaphore_mem>>)
      %dma_wait3A_44 = tpu.memref_slice %arg2[%mul3A_23] : memref<663552xi32, #tpu.memory_space<hbm>> -> memref<128xi32, #tpu.memory_space<hbm>>
      %dma_wait3A_45 = tpu.memref_slice %arg2[%mul3A_23] : memref<663552xi32, #tpu.memory_space<hbm>> -> memref<128xi32, #tpu.memory_space<hbm>>
      tpu.wait_dma2 semaphore(%run_scoped3A : memref<!tpu.dma_semaphore, #tpu.memory_space<semaphore_mem>>) src(%dma_wait3A_45 : memref<128xi32, #tpu.memory_space<hbm>>) dst(%arg8 : memref<128xi32, #tpu.memory_space<vmem>>)
      tpu.yield
    }) : () -> ()
    %dma_start3A = arith.constant 0 : i32
    %dma_start3A_24 = arith.constant 0 : i32
    %dma_start3A_25 = tpu.memref_slice %arg4[%dma_start3A, %dma_start3A_24] : memref<20224x128xf32, #tpu.memory_space<hbm>> -> memref<20224x128xf32, #tpu.memory_space<hbm>>
    tpu.enqueue_indirect_dma source(%dma_start3A_25 : memref<20224x128xf32, #tpu.memory_space<hbm>>) target(%arg12 : memref<128x128xf32, #tpu.memory_space<vmem>>) offsets(%arg8 : memref<128xi32, #tpu.memory_space<vmem>>) semaphore(%arg16 : memref<!tpu.dma_semaphore, #tpu.memory_space<semaphore_mem>>)
    %scan3A = arith.constant 0 : i32
    %scan3A_26 = arith.constant 81 : i32
    %scan3A_27 = arith.addi %scan3A, %scan3A_26 : i32
    %scan3A_28 = arith.constant 1 : i32
    scf.for %scan3A_42 = %scan3A to %scan3A_27 step %scan3A_28  : i32 {
      %mul3A_43 = arith.constant 2 : i32
      %mul3A_44 = arith.muli %scan3A_42, %mul3A_43 : i32
      %add3A_45 = arith.constant 0 : i32
      %add3A_46 = arith.addi %add3A_45, %mul3A_44 : i32
      %add3A_47 = arith.constant 0 : i32
      %add3A_48 = arith.addi %add3A_46, %add3A_47 : i32
      %dma_wait3A_49 = arith.constant 0 : i32
      %dma_wait3A_50 = arith.constant 0 : i32
      %dma_wait3A_51 = tpu.memref_slice %arg4[%dma_wait3A_49, %dma_wait3A_50] : memref<20224x128xf32, #tpu.memory_space<hbm>> -> memref<128x128xf32, #tpu.memory_space<hbm>>
      %dma_wait3A_52 = arith.constant 0 : i32
      %dma_wait3A_53 = arith.constant 0 : i32
      %dma_wait3A_54 = tpu.memref_slice %arg4[%dma_wait3A_52, %dma_wait3A_53] : memref<20224x128xf32, #tpu.memory_space<hbm>> -> memref<128x128xf32, #tpu.memory_space<hbm>>
      tpu.wait_dma2 semaphore(%arg16 : memref<!tpu.dma_semaphore, #tpu.memory_space<semaphore_mem>>) src(%dma_wait3A_54 : memref<128x128xf32, #tpu.memory_space<hbm>>) dst(%arg12 : memref<128x128xf32, #tpu.memory_space<vmem>>)
      %ge3A = arith.constant 1 : i32
      %ge3A_55 = arith.cmpi sge, %add3A_48, %ge3A : i32
      %convert_element_type3A = arith.extui %ge3A_55 : i1 to i32
      %cond3A = arith.constant 0 : i32
      %cond3A_56 = arith.cmpi ne, %convert_element_type3A, %cond3A : i32
      scf.if %cond3A_56 {
        %dma_wait3A_121 = arith.constant 0 : i32
        %dma_wait3A_122 = arith.constant 0 : i32
        %dma_wait3A_123 = tpu.memref_slice %arg15[%dma_wait3A_121, %dma_wait3A_122] : memref<10112x128xf32, #tpu.memory_space<vmem_shared>> -> memref<64x128xf32, #tpu.memory_space<vmem_shared>>
        %dma_wait3A_124 = arith.constant 0 : i32
        %dma_wait3A_125 = arith.constant 0 : i32
        %dma_wait3A_126 = tpu.memref_slice %arg4[%dma_wait3A_124, %dma_wait3A_125] : memref<20224x128xf32, #tpu.memory_space<hbm>> -> memref<64x128xf32, #tpu.memory_space<hbm>>
        tpu.wait_dma2 semaphore(%arg19 : memref<!tpu.dma_semaphore, #tpu.memory_space<semaphore_mem>>) src(%dma_wait3A_126 : memref<64x128xf32, #tpu.memory_space<hbm>>) dst(%dma_wait3A_123 : memref<64x128xf32, #tpu.memory_space<vmem_shared>>)
      } else {
      }
      %add3A_57 = arith.constant 1 : i32
      %add3A_58 = arith.addi %add3A_48, %add3A_57 : i32
      %min3A = arith.constant 161 : i32
      %min3A_59 = arith.minsi %add3A_58, %min3A : i32
      %add3A_60 = arith.addi %mul3A_15, %min3A_59 : i32
      %mul3A_61 = arith.constant 2 : i32
      %mul3A_62 = arith.muli %add3A_60, %mul3A_61 : i32
      %mul3A_63 = arith.constant 64 : i32
      %mul3A_64 = arith.muli %mul3A_62, %mul3A_63 : i32
      "tpu.region"() ({
        %run_scoped3A = tpu.sem_alloc : memref<!tpu.dma_semaphore, #tpu.memory_space<semaphore_mem>>
        %dma_start3A_121 = tpu.memref_slice %arg2[%mul3A_64] : memref<663552xi32, #tpu.memory_space<hbm>> -> memref<128xi32, #tpu.memory_space<hbm>>
        %dma_start3A_122 = tpu.memref_slice %arg2[%mul3A_64] : memref<663552xi32, #tpu.memory_space<hbm>> -> memref<128xi32, #tpu.memory_space<hbm>>
        tpu.enqueue_dma source(%dma_start3A_122 : memref<128xi32, #tpu.memory_space<hbm>>) target(%arg9 : memref<128xi32, #tpu.memory_space<vmem>>) target_semaphore(%run_scoped3A : memref<!tpu.dma_semaphore, #tpu.memory_space<semaphore_mem>>)
        %dma_wait3A_123 = tpu.memref_slice %arg2[%mul3A_64] : memref<663552xi32, #tpu.memory_space<hbm>> -> memref<128xi32, #tpu.memory_space<hbm>>
        %dma_wait3A_124 = tpu.memref_slice %arg2[%mul3A_64] : memref<663552xi32, #tpu.memory_space<hbm>> -> memref<128xi32, #tpu.memory_space<hbm>>
        tpu.wait_dma2 semaphore(%run_scoped3A : memref<!tpu.dma_semaphore, #tpu.memory_space<semaphore_mem>>) src(%dma_wait3A_124 : memref<128xi32, #tpu.memory_space<hbm>>) dst(%arg9 : memref<128xi32, #tpu.memory_space<vmem>>)
        tpu.yield
      }) : () -> ()
      %dma_start3A_65 = arith.constant 0 : i32
      %dma_start3A_66 = arith.constant 0 : i32
      %dma_start3A_67 = tpu.memref_slice %arg4[%dma_start3A_65, %dma_start3A_66] : memref<20224x128xf32, #tpu.memory_space<hbm>> -> memref<20224x128xf32, #tpu.memory_space<hbm>>
      tpu.enqueue_indirect_dma source(%dma_start3A_67 : memref<20224x128xf32, #tpu.memory_space<hbm>>) target(%arg13 : memref<128x128xf32, #tpu.memory_space<vmem>>) offsets(%arg9 : memref<128xi32, #tpu.memory_space<vmem>>) semaphore(%arg17 : memref<!tpu.dma_semaphore, #tpu.memory_space<semaphore_mem>>)
      %mul3A_68 = arith.constant 64 : i32
      %mul3A_69 = arith.muli %add3A_48, %mul3A_68 : i32
      %add3A_70 = arith.addi %mul3A_17, %mul3A_69 : i32
      "tpu.region"() ({
        %run_scoped3A = tpu.sem_alloc : memref<!tpu.dma_semaphore, #tpu.memory_space<semaphore_mem>>
        %dma_start3A_121 = tpu.memref_slice %arg3[%add3A_70] : memref<331776xi32, #tpu.memory_space<hbm>> -> memref<64xi32, #tpu.memory_space<hbm>>
        %dma_start3A_122 = tpu.memref_slice %arg3[%add3A_70] : memref<331776xi32, #tpu.memory_space<hbm>> -> memref<64xi32, #tpu.memory_space<hbm>>
        tpu.enqueue_dma source(%dma_start3A_122 : memref<64xi32, #tpu.memory_space<hbm>>) target(%arg10 : memref<64xi32, #tpu.memory_space<vmem>>) target_semaphore(%run_scoped3A : memref<!tpu.dma_semaphore, #tpu.memory_space<semaphore_mem>>)
        %dma_wait3A_123 = tpu.memref_slice %arg3[%add3A_70] : memref<331776xi32, #tpu.memory_space<hbm>> -> memref<64xi32, #tpu.memory_space<hbm>>
        %dma_wait3A_124 = tpu.memref_slice %arg3[%add3A_70] : memref<331776xi32, #tpu.memory_space<hbm>> -> memref<64xi32, #tpu.memory_space<hbm>>
        tpu.wait_dma2 semaphore(%run_scoped3A : memref<!tpu.dma_semaphore, #tpu.memory_space<semaphore_mem>>) src(%dma_wait3A_124 : memref<64xi32, #tpu.memory_space<hbm>>) dst(%arg10 : memref<64xi32, #tpu.memory_space<vmem>>)
        tpu.yield
      }) : () -> ()
      %scan3A_71 = arith.constant 0 : i32
      %scan3A_72 = arith.constant 64 : i32
      %scan3A_73 = arith.addi %scan3A_71, %scan3A_72 : i32
      %scan3A_74 = arith.constant 1 : i32
      scf.for %scan3A_121 = %scan3A_71 to %scan3A_73 step %scan3A_74  : i32 {
        %mul3A_122 = arith.constant 1 : i32
        %mul3A_123 = arith.muli %scan3A_121, %mul3A_122 : i32
        %add3A_124 = arith.constant 0 : i32
        %add3A_125 = arith.addi %add3A_124, %mul3A_123 : i32
        %get3A_126 = arith.index_cast %add3A_125 : i32 to index
        %get3A_127 = arith.constant 64 : index
        %get3A_128 = tpu.vector_load %arg12[%get3A_126, %get3A_127] {strides = array<i32>} : memref<128x128xf32, #tpu.memory_space<vmem>>, vector<1x16xf32>,
        %get3A_129 = vector.shape_cast %get3A_128 : vector<1x16xf32> to vector<16xf32>
        %add3A_130 = arith.constant 64 : i32
        %add3A_131 = arith.addi %add3A_130, %add3A_125 : i32
        %get3A_132 = arith.index_cast %add3A_131 : i32 to index
        %get3A_133 = arith.constant 0 : index
        %get3A_134 = tpu.vector_load %arg12[%get3A_132, %get3A_133] {strides = array<i32>} : memref<128x128xf32, #tpu.memory_space<vmem>>, vector<1x16xf32>,
        %get3A_135 = vector.shape_cast %get3A_134 : vector<1x16xf32> to vector<16xf32>
        %add3A_136 = arith.addf %get3A_129, %get3A_135 : vector<16xf32>
        %mul3A_137 = arith.constant 2.000000e-01 : f32
        %mul3A_138 = vector.broadcast %mul3A_137 : f32 to vector<16xf32>
        %mul3A_139 = arith.mulf %add3A_136, %mul3A_138 : vector<16xf32>
        %max3A = arith.maximumf %add3A_136, %mul3A_139 : vector<16xf32>
        %sub3A = arith.subf %max3A, %get3A_4 : vector<16xf32>
        %exp3A = math.exp %sub3A : vector<16xf32>
        %get3A_140 = arith.index_cast %add3A_125 : i32 to index
        %get3A_141 = arith.constant 0 : index
        %get3A_142 = tpu.vector_load %arg12[%get3A_140, %get3A_141] {strides = array<i32>} : memref<128x128xf32, #tpu.memory_space<vmem>>, vector<1x16xf32>,
        %get3A_143 = vector.shape_cast %get3A_142 : vector<1x16xf32> to vector<16xf32>
        %mul3A_144 = arith.mulf %exp3A, %get3A_143 : vector<16xf32>
        %swap3A = arith.index_cast %add3A_125 : i32 to index
        %swap3A_145 = arith.constant 0 : index
        %swap3A_146 = tpu.vector_load %arg12[%swap3A, %swap3A_145] {strides = array<i32>} : memref<128x128xf32, #tpu.memory_space<vmem>>, vector<1x16xf32>,
        %swap3A_147 = vector.shape_cast %swap3A_146 : vector<1x16xf32> to vector<16xf32>
        %swap3A_148 = vector.shape_cast %mul3A_144 : vector<16xf32> to vector<1x16xf32>
        tpu.vector_store %arg12[%swap3A, %swap3A_145], %swap3A_148 {strides = array<i32>} : memref<128x128xf32, #tpu.memory_space<vmem>>, vector<1x16xf32>,
        %swap3A_149 = arith.index_cast %add3A_125 : i32 to index
        %swap3A_150 = arith.constant 64 : index
        %swap3A_151 = tpu.vector_load %arg12[%swap3A_149, %swap3A_150] {strides = array<i32>} : memref<128x128xf32, #tpu.memory_space<vmem>>, vector<1x16xf32>,
        %swap3A_152 = vector.shape_cast %swap3A_151 : vector<1x16xf32> to vector<16xf32>
        %swap3A_153 = vector.shape_cast %exp3A : vector<16xf32> to vector<1x16xf32>
        tpu.vector_store %arg12[%swap3A_149, %swap3A_150], %swap3A_153 {strides = array<i32>} : memref<128x128xf32, #tpu.memory_space<vmem>>, vector<1x16xf32>,
        %get3A_154 = arith.index_cast %add3A_125 : i32 to index
        %get3A_155 = arith.constant 80 : index
        %get3A_156 = tpu.vector_load %arg12[%get3A_154, %get3A_155] {strides = array<i32>} : memref<128x128xf32, #tpu.memory_space<vmem>>, vector<1x16xf32>,
        %get3A_157 = vector.shape_cast %get3A_156 : vector<1x16xf32> to vector<16xf32>
        %add3A_158 = arith.constant 64 : i32
        %add3A_159 = arith.addi %add3A_158, %add3A_125 : i32
        %get3A_160 = arith.index_cast %add3A_159 : i32 to index
        %get3A_161 = arith.constant 16 : index
        %get3A_162 = tpu.vector_load %arg12[%get3A_160, %get3A_161] {strides = array<i32>} : memref<128x128xf32, #tpu.memory_space<vmem>>, vector<1x16xf32>,
        %get3A_163 = vector.shape_cast %get3A_162 : vector<1x16xf32> to vector<16xf32>
        %add3A_164 = arith.addf %get3A_157, %get3A_163 : vector<16xf32>
        %mul3A_165 = arith.constant 2.000000e-01 : f32
        %mul3A_166 = vector.broadcast %mul3A_165 : f32 to vector<16xf32>
        %mul3A_167 = arith.mulf %add3A_164, %mul3A_166 : vector<16xf32>
        %max3A_168 = arith.maximumf %add3A_164, %mul3A_167 : vector<16xf32>
        %sub3A_169 = arith.subf %max3A_168, %get3A_7 : vector<16xf32>
        %exp3A_170 = math.exp %sub3A_169 : vector<16xf32>
        %get3A_171 = arith.index_cast %add3A_125 : i32 to index
        %get3A_172 = arith.constant 16 : index
        %get3A_173 = tpu.vector_load %arg12[%get3A_171, %get3A_172] {strides = array<i32>} : memref<128x128xf32, #tpu.memory_space<vmem>>, vector<1x16xf32>,
        %get3A_174 = vector.shape_cast %get3A_173 : vector<1x16xf32> to vector<16xf32>
        %mul3A_175 = arith.mulf %exp3A_170, %get3A_174 : vector<16xf32>
        %swap3A_176 = arith.index_cast %add3A_125 : i32 to index
        %swap3A_177 = arith.constant 16 : index
        %swap3A_178 = tpu.vector_load %arg12[%swap3A_176, %swap3A_177] {strides = array<i32>} : memref<128x128xf32, #tpu.memory_space<vmem>>, vector<1x16xf32>,
        %swap3A_179 = vector.shape_cast %swap3A_178 : vector<1x16xf32> to vector<16xf32>
        %swap3A_180 = vector.shape_cast %mul3A_175 : vector<16xf32> to vector<1x16xf32>
        tpu.vector_store %arg12[%swap3A_176, %swap3A_177], %swap3A_180 {strides = array<i32>} : memref<128x128xf32, #tpu.memory_space<vmem>>, vector<1x16xf32>,
        %swap3A_181 = arith.index_cast %add3A_125 : i32 to index
        %swap3A_182 = arith.constant 80 : index
        %swap3A_183 = tpu.vector_load %arg12[%swap3A_181, %swap3A_182] {strides = array<i32>} : memref<128x128xf32, #tpu.memory_space<vmem>>, vector<1x16xf32>,
        %swap3A_184 = vector.shape_cast %swap3A_183 : vector<1x16xf32> to vector<16xf32>
        %swap3A_185 = vector.shape_cast %exp3A_170 : vector<16xf32> to vector<1x16xf32>
        tpu.vector_store %arg12[%swap3A_181, %swap3A_182], %swap3A_185 {strides = array<i32>} : memref<128x128xf32, #tpu.memory_space<vmem>>, vector<1x16xf32>,
        %get3A_186 = arith.index_cast %add3A_125 : i32 to index
        %get3A_187 = arith.constant 96 : index
        %get3A_188 = tpu.vector_load %arg12[%get3A_186, %get3A_187] {strides = array<i32>} : memref<128x128xf32, #tpu.memory_space<vmem>>, vector<1x16xf32>,
        %get3A_189 = vector.shape_cast %get3A_188 : vector<1x16xf32> to vector<16xf32>
        %add3A_190 = arith.constant 64 : i32
        %add3A_191 = arith.addi %add3A_190, %add3A_125 : i32
        %get3A_192 = arith.index_cast %add3A_191 : i32 to index
        %get3A_193 = arith.constant 32 : index
        %get3A_194 = tpu.vector_load %arg12[%get3A_192, %get3A_193] {strides = array<i32>} : memref<128x128xf32, #tpu.memory_space<vmem>>, vector<1x16xf32>,
        %get3A_195 = vector.shape_cast %get3A_194 : vector<1x16xf32> to vector<16xf32>
        %add3A_196 = arith.addf %get3A_189, %get3A_195 : vector<16xf32>
        %mul3A_197 = arith.constant 2.000000e-01 : f32
        %mul3A_198 = vector.broadcast %mul3A_197 : f32 to vector<16xf32>
        %mul3A_199 = arith.mulf %add3A_196, %mul3A_198 : vector<16xf32>
        %max3A_200 = arith.maximumf %add3A_196, %mul3A_199 : vector<16xf32>
        %sub3A_201 = arith.subf %max3A_200, %get3A_10 : vector<16xf32>
        %exp3A_202 = math.exp %sub3A_201 : vector<16xf32>
        %get3A_203 = arith.index_cast %add3A_125 : i32 to index
        %get3A_204 = arith.constant 32 : index
        %get3A_205 = tpu.vector_load %arg12[%get3A_203, %get3A_204] {strides = array<i32>} : memref<128x128xf32, #tpu.memory_space<vmem>>, vector<1x16xf32>,
        %get3A_206 = vector.shape_cast %get3A_205 : vector<1x16xf32> to vector<16xf32>
        %mul3A_207 = arith.mulf %exp3A_202, %get3A_206 : vector<16xf32>
        %swap3A_208 = arith.index_cast %add3A_125 : i32 to index
        %swap3A_209 = arith.constant 32 : index
        %swap3A_210 = tpu.vector_load %arg12[%swap3A_208, %swap3A_209] {strides = array<i32>} : memref<128x128xf32, #tpu.memory_space<vmem>>, vector<1x16xf32>,
        %swap3A_211 = vector.shape_cast %swap3A_210 : vector<1x16xf32> to vector<16xf32>
        %swap3A_212 = vector.shape_cast %mul3A_207 : vector<16xf32> to vector<1x16xf32>
        tpu.vector_store %arg12[%swap3A_208, %swap3A_209], %swap3A_212 {strides = array<i32>} : memref<128x128xf32, #tpu.memory_space<vmem>>, vector<1x16xf32>,
        %swap3A_213 = arith.index_cast %add3A_125 : i32 to index
        %swap3A_214 = arith.constant 96 : index
        %swap3A_215 = tpu.vector_load %arg12[%swap3A_213, %swap3A_214] {strides = array<i32>} : memref<128x128xf32, #tpu.memory_space<vmem>>, vector<1x16xf32>,
        %swap3A_216 = vector.shape_cast %swap3A_215 : vector<1x16xf32> to vector<16xf32>
        %swap3A_217 = vector.shape_cast %exp3A_202 : vector<16xf32> to vector<1x16xf32>
        tpu.vector_store %arg12[%swap3A_213, %swap3A_214], %swap3A_217 {strides = array<i32>} : memref<128x128xf32, #tpu.memory_space<vmem>>, vector<1x16xf32>,
        %get3A_218 = arith.index_cast %add3A_125 : i32 to index
        %get3A_219 = arith.constant 112 : index
        %get3A_220 = tpu.vector_load %arg12[%get3A_218, %get3A_219] {strides = array<i32>} : memref<128x128xf32, #tpu.memory_space<vmem>>, vector<1x16xf32>,
        %get3A_221 = vector.shape_cast %get3A_220 : vector<1x16xf32> to vector<16xf32>
        %add3A_222 = arith.constant 64 : i32
        %add3A_223 = arith.addi %add3A_222, %add3A_125 : i32
        %get3A_224 = arith.index_cast %add3A_223 : i32 to index
        %get3A_225 = arith.constant 48 : index
        %get3A_226 = tpu.vector_load %arg12[%get3A_224, %get3A_225] {strides = array<i32>} : memref<128x128xf32, #tpu.memory_space<vmem>>, vector<1x16xf32>,
        %get3A_227 = vector.shape_cast %get3A_226 : vector<1x16xf32> to vector<16xf32>
        %add3A_228 = arith.addf %get3A_221, %get3A_227 : vector<16xf32>
        %mul3A_229 = arith.constant 2.000000e-01 : f32
        %mul3A_230 = vector.broadcast %mul3A_229 : f32 to vector<16xf32>
        %mul3A_231 = arith.mulf %add3A_228, %mul3A_230 : vector<16xf32>
        %max3A_232 = arith.maximumf %add3A_228, %mul3A_231 : vector<16xf32>
        %sub3A_233 = arith.subf %max3A_232, %get3A_13 : vector<16xf32>
        %exp3A_234 = math.exp %sub3A_233 : vector<16xf32>
        %get3A_235 = arith.index_cast %add3A_125 : i32 to index
        %get3A_236 = arith.constant 48 : index
        %get3A_237 = tpu.vector_load %arg12[%get3A_235, %get3A_236] {strides = array<i32>} : memref<128x128xf32, #tpu.memory_space<vmem>>, vector<1x16xf32>,
        %get3A_238 = vector.shape_cast %get3A_237 : vector<1x16xf32> to vector<16xf32>
        %mul3A_239 = arith.mulf %exp3A_234, %get3A_238 : vector<16xf32>
        %swap3A_240 = arith.index_cast %add3A_125 : i32 to index
        %swap3A_241 = arith.constant 48 : index
        %swap3A_242 = tpu.vector_load %arg12[%swap3A_240, %swap3A_241] {strides = array<i32>} : memref<128x128xf32, #tpu.memory_space<vmem>>, vector<1x16xf32>,
        %swap3A_243 = vector.shape_cast %swap3A_242 : vector<1x16xf32> to vector<16xf32>
        %swap3A_244 = vector.shape_cast %mul3A_239 : vector<16xf32> to vector<1x16xf32>
        tpu.vector_store %arg12[%swap3A_240, %swap3A_241], %swap3A_244 {strides = array<i32>} : memref<128x128xf32, #tpu.memory_space<vmem>>, vector<1x16xf32>,
        %swap3A_245 = arith.index_cast %add3A_125 : i32 to index
        %swap3A_246 = arith.constant 112 : index
        %swap3A_247 = tpu.vector_load %arg12[%swap3A_245, %swap3A_246] {strides = array<i32>} : memref<128x128xf32, #tpu.memory_space<vmem>>, vector<1x16xf32>,
        %swap3A_248 = vector.shape_cast %swap3A_247 : vector<1x16xf32> to vector<16xf32>
        %swap3A_249 = vector.shape_cast %exp3A_234 : vector<16xf32> to vector<1x16xf32>
        tpu.vector_store %arg12[%swap3A_245, %swap3A_246], %swap3A_249 {strides = array<i32>} : memref<128x128xf32, #tpu.memory_space<vmem>>, vector<1x16xf32>,
      }
      %scan3A_75 = arith.constant 64 : i32
      %dma_start3A_76 = arith.constant 0 : i32
      %dma_start3A_77 = arith.constant 0 : i32
      %dma_start3A_78 = tpu.memref_slice %arg12[%dma_start3A_76, %dma_start3A_77] : memref<128x128xf32, #tpu.memory_space<vmem>> -> memref<64x128xf32, #tpu.memory_space<vmem>>
      %dma_start3A_79 = arith.constant 0 : i32
      %dma_start3A_80 = arith.constant 0 : i32
      %dma_start3A_81 = tpu.memref_slice %arg15[%dma_start3A_79, %dma_start3A_80] : memref<10112x128xf32, #tpu.memory_space<vmem_shared>> -> memref<10112x128xf32, #tpu.memory_space<vmem_shared>>
      tpu.enqueue_indirect_dma source(%dma_start3A_78 : memref<64x128xf32, #tpu.memory_space<vmem>>) target(%dma_start3A_81 : memref<10112x128xf32, #tpu.memory_space<vmem_shared>>) offsets(%arg10 : memref<64xi32, #tpu.memory_space<vmem>>) semaphore(%arg18 : memref<!tpu.dma_semaphore, #tpu.memory_space<semaphore_mem>>) {add = true}
      %add3A_82 = arith.constant 1 : i32
      %add3A_83 = arith.addi %add3A_46, %add3A_82 : i32
      %dma_wait3A_84 = arith.constant 0 : i32
      %dma_wait3A_85 = arith.constant 0 : i32
      %dma_wait3A_86 = tpu.memref_slice %arg4[%dma_wait3A_84, %dma_wait3A_85] : memref<20224x128xf32, #tpu.memory_space<hbm>> -> memref<128x128xf32, #tpu.memory_space<hbm>>
      %dma_wait3A_87 = arith.constant 0 : i32
      %dma_wait3A_88 = arith.constant 0 : i32
      %dma_wait3A_89 = tpu.memref_slice %arg4[%dma_wait3A_87, %dma_wait3A_88] : memref<20224x128xf32, #tpu.memory_space<hbm>> -> memref<128x128xf32, #tpu.memory_space<hbm>>
      tpu.wait_dma2 semaphore(%arg17 : memref<!tpu.dma_semaphore, #tpu.memory_space<semaphore_mem>>) src(%dma_wait3A_89 : memref<128x128xf32, #tpu.memory_space<hbm>>) dst(%arg13 : memref<128x128xf32, #tpu.memory_space<vmem>>)
      %ge3A_90 = arith.constant 1 : i32
      %ge3A_91 = arith.cmpi sge, %add3A_83, %ge3A_90 : i32
      %convert_element_type3A_92 = arith.extui %ge3A_91 : i1 to i32
      %cond3A_93 = arith.constant 0 : i32
      %cond3A_94 = arith.cmpi ne, %convert_element_type3A_92, %cond3A_93 : i32
      scf.if %cond3A_94 {
        %dma_wait3A_121 = arith.constant 0 : i32
        %dma_wait3A_122 = arith.constant 0 : i32
        %dma_wait3A_123 = tpu.memref_slice %arg15[%dma_wait3A_121, %dma_wait3A_122] : memref<10112x128xf32, #tpu.memory_space<vmem_shared>> -> memref<64x128xf32, #tpu.memory_space<vmem_shared>>
        %dma_wait3A_124 = arith.constant 0 : i32
        %dma_wait3A_125 = arith.constant 0 : i32
        %dma_wait3A_126 = tpu.memref_slice %arg4[%dma_wait3A_124, %dma_wait3A_125] : memref<20224x128xf32, #tpu.memory_space<hbm>> -> memref<64x128xf32, #tpu.memory_space<hbm>>
        tpu.wait_dma2 semaphore(%arg18 : memref<!tpu.dma_semaphore, #tpu.memory_space<semaphore_mem>>) src(%dma_wait3A_126 : memref<64x128xf32, #tpu.memory_space<hbm>>) dst(%dma_wait3A_123 : memref<64x128xf32, #tpu.memory_space<vmem_shared>>)
      } else {
      }
      %add3A_95 = arith.constant 1 : i32
      %add3A_96 = arith.addi %add3A_83, %add3A_95 : i32
      %min3A_97 = arith.constant 161 : i32
      %min3A_98 = arith.minsi %add3A_96, %min3A_97 : i32
      %add3A_99 = arith.addi %mul3A_15, %min3A_98 : i32
      %mul3A_100 = arith.constant 2 : i32
      %mul3A_101 = arith.muli %add3A_99, %mul3A_100 : i32
      %mul3A_102 = arith.constant 64 : i32
      %mul3A_103 = arith.muli %mul3A_101, %mul3A_102 : i32
      "tpu.region"() ({
        %run_scoped3A = tpu.sem_alloc : memref<!tpu.dma_semaphore, #tpu.memory_space<semaphore_mem>>
        %dma_start3A_121 = tpu.memref_slice %arg2[%mul3A_103] : memref<663552xi32, #tpu.memory_space<hbm>> -> memref<128xi32, #tpu.memory_space<hbm>>
        %dma_start3A_122 = tpu.memref_slice %arg2[%mul3A_103] : memref<663552xi32, #tpu.memory_space<hbm>> -> memref<128xi32, #tpu.memory_space<hbm>>
        tpu.enqueue_dma source(%dma_start3A_122 : memref<128xi32, #tpu.memory_space<hbm>>) target(%arg8 : memref<128xi32, #tpu.memory_space<vmem>>) target_semaphore(%run_scoped3A : memref<!tpu.dma_semaphore, #tpu.memory_space<semaphore_mem>>)
        %dma_wait3A_123 = tpu.memref_slice %arg2[%mul3A_103] : memref<663552xi32, #tpu.memory_space<hbm>> -> memref<128xi32, #tpu.memory_space<hbm>>
        %dma_wait3A_124 = tpu.memref_slice %arg2[%mul3A_103] : memref<663552xi32, #tpu.memory_space<hbm>> -> memref<128xi32, #tpu.memory_space<hbm>>
        tpu.wait_dma2 semaphore(%run_scoped3A : memref<!tpu.dma_semaphore, #tpu.memory_space<semaphore_mem>>) src(%dma_wait3A_124 : memref<128xi32, #tpu.memory_space<hbm>>) dst(%arg8 : memref<128xi32, #tpu.memory_space<vmem>>)
        tpu.yield
      }) : () -> ()
      %dma_start3A_104 = arith.constant 0 : i32
      %dma_start3A_105 = arith.constant 0 : i32
      %dma_start3A_106 = tpu.memref_slice %arg4[%dma_start3A_104, %dma_start3A_105] : memref<20224x128xf32, #tpu.memory_space<hbm>> -> memref<20224x128xf32, #tpu.memory_space<hbm>>
      tpu.enqueue_indirect_dma source(%dma_start3A_106 : memref<20224x128xf32, #tpu.memory_space<hbm>>) target(%arg12 : memref<128x128xf32, #tpu.memory_space<vmem>>) offsets(%arg8 : memref<128xi32, #tpu.memory_space<vmem>>) semaphore(%arg16 : memref<!tpu.dma_semaphore, #tpu.memory_space<semaphore_mem>>)
      %mul3A_107 = arith.constant 64 : i32
      %mul3A_108 = arith.muli %add3A_83, %mul3A_107 : i32
      %add3A_109 = arith.addi %mul3A_17, %mul3A_108 : i32
      "tpu.region"() ({
        %run_scoped3A = tpu.sem_alloc : memref<!tpu.dma_semaphore, #tpu.memory_space<semaphore_mem>>
        %dma_start3A_121 = tpu.memref_slice %arg3[%add3A_109] : memref<331776xi32, #tpu.memory_space<hbm>> -> memref<64xi32, #tpu.memory_space<hbm>>
        %dma_start3A_122 = tpu.memref_slice %arg3[%add3A_109] : memref<331776xi32, #tpu.memory_space<hbm>> -> memref<64xi32, #tpu.memory_space<hbm>>
        tpu.enqueue_dma source(%dma_start3A_122 : memref<64xi32, #tpu.memory_space<hbm>>) target(%arg11 : memref<64xi32, #tpu.memory_space<vmem>>) target_semaphore(%run_scoped3A : memref<!tpu.dma_semaphore, #tpu.memory_space<semaphore_mem>>)
        %dma_wait3A_123 = tpu.memref_slice %arg3[%add3A_109] : memref<331776xi32, #tpu.memory_space<hbm>> -> memref<64xi32, #tpu.memory_space<hbm>>
        %dma_wait3A_124 = tpu.memref_slice %arg3[%add3A_109] : memref<331776xi32, #tpu.memory_space<hbm>> -> memref<64xi32, #tpu.memory_space<hbm>>
        tpu.wait_dma2 semaphore(%run_scoped3A : memref<!tpu.dma_semaphore, #tpu.memory_space<semaphore_mem>>) src(%dma_wait3A_124 : memref<64xi32, #tpu.memory_space<hbm>>) dst(%arg11 : memref<64xi32, #tpu.memory_space<vmem>>)
        tpu.yield
      }) : () -> ()
      %scan3A_110 = arith.constant 0 : i32
      %scan3A_111 = arith.constant 64 : i32
      %scan3A_112 = arith.addi %scan3A_110, %scan3A_111 : i32
      %scan3A_113 = arith.constant 1 : i32
      scf.for %scan3A_121 = %scan3A_110 to %scan3A_112 step %scan3A_113  : i32 {
        %mul3A_122 = arith.constant 1 : i32
        %mul3A_123 = arith.muli %scan3A_121, %mul3A_122 : i32
        %add3A_124 = arith.constant 0 : i32
        %add3A_125 = arith.addi %add3A_124, %mul3A_123 : i32
        %get3A_126 = arith.index_cast %add3A_125 : i32 to index
        %get3A_127 = arith.constant 64 : index
        %get3A_128 = tpu.vector_load %arg13[%get3A_126, %get3A_127] {strides = array<i32>} : memref<128x128xf32, #tpu.memory_space<vmem>>, vector<1x16xf32>,
        %get3A_129 = vector.shape_cast %get3A_128 : vector<1x16xf32> to vector<16xf32>
        %add3A_130 = arith.constant 64 : i32
        %add3A_131 = arith.addi %add3A_130, %add3A_125 : i32
        %get3A_132 = arith.index_cast %add3A_131 : i32 to index
        %get3A_133 = arith.constant 0 : index
        %get3A_134 = tpu.vector_load %arg13[%get3A_132, %get3A_133] {strides = array<i32>} : memref<128x128xf32, #tpu.memory_space<vmem>>, vector<1x16xf32>,
        %get3A_135 = vector.shape_cast %get3A_134 : vector<1x16xf32> to vector<16xf32>
        %add3A_136 = arith.addf %get3A_129, %get3A_135 : vector<16xf32>
        %mul3A_137 = arith.constant 2.000000e-01 : f32
        %mul3A_138 = vector.broadcast %mul3A_137 : f32 to vector<16xf32>
        %mul3A_139 = arith.mulf %add3A_136, %mul3A_138 : vector<16xf32>
        %max3A = arith.maximumf %add3A_136, %mul3A_139 : vector<16xf32>
        %sub3A = arith.subf %max3A, %get3A_4 : vector<16xf32>
        %exp3A = math.exp %sub3A : vector<16xf32>
        %get3A_140 = arith.index_cast %add3A_125 : i32 to index
        %get3A_141 = arith.constant 0 : index
        %get3A_142 = tpu.vector_load %arg13[%get3A_140, %get3A_141] {strides = array<i32>} : memref<128x128xf32, #tpu.memory_space<vmem>>, vector<1x16xf32>,
        %get3A_143 = vector.shape_cast %get3A_142 : vector<1x16xf32> to vector<16xf32>
        %mul3A_144 = arith.mulf %exp3A, %get3A_143 : vector<16xf32>
        %swap3A = arith.index_cast %add3A_125 : i32 to index
        %swap3A_145 = arith.constant 0 : index
        %swap3A_146 = tpu.vector_load %arg13[%swap3A, %swap3A_145] {strides = array<i32>} : memref<128x128xf32, #tpu.memory_space<vmem>>, vector<1x16xf32>,
        %swap3A_147 = vector.shape_cast %swap3A_146 : vector<1x16xf32> to vector<16xf32>
        %swap3A_148 = vector.shape_cast %mul3A_144 : vector<16xf32> to vector<1x16xf32>
        tpu.vector_store %arg13[%swap3A, %swap3A_145], %swap3A_148 {strides = array<i32>} : memref<128x128xf32, #tpu.memory_space<vmem>>, vector<1x16xf32>,
        %swap3A_149 = arith.index_cast %add3A_125 : i32 to index
        %swap3A_150 = arith.constant 64 : index
        %swap3A_151 = tpu.vector_load %arg13[%swap3A_149, %swap3A_150] {strides = array<i32>} : memref<128x128xf32, #tpu.memory_space<vmem>>, vector<1x16xf32>,
        %swap3A_152 = vector.shape_cast %swap3A_151 : vector<1x16xf32> to vector<16xf32>
        %swap3A_153 = vector.shape_cast %exp3A : vector<16xf32> to vector<1x16xf32>
        tpu.vector_store %arg13[%swap3A_149, %swap3A_150], %swap3A_153 {strides = array<i32>} : memref<128x128xf32, #tpu.memory_space<vmem>>, vector<1x16xf32>,
        %get3A_154 = arith.index_cast %add3A_125 : i32 to index
        %get3A_155 = arith.constant 80 : index
        %get3A_156 = tpu.vector_load %arg13[%get3A_154, %get3A_155] {strides = array<i32>} : memref<128x128xf32, #tpu.memory_space<vmem>>, vector<1x16xf32>,
        %get3A_157 = vector.shape_cast %get3A_156 : vector<1x16xf32> to vector<16xf32>
        %add3A_158 = arith.constant 64 : i32
        %add3A_159 = arith.addi %add3A_158, %add3A_125 : i32
        %get3A_160 = arith.index_cast %add3A_159 : i32 to index
        %get3A_161 = arith.constant 16 : index
        %get3A_162 = tpu.vector_load %arg13[%get3A_160, %get3A_161] {strides = array<i32>} : memref<128x128xf32, #tpu.memory_space<vmem>>, vector<1x16xf32>,
        %get3A_163 = vector.shape_cast %get3A_162 : vector<1x16xf32> to vector<16xf32>
        %add3A_164 = arith.addf %get3A_157, %get3A_163 : vector<16xf32>
        %mul3A_165 = arith.constant 2.000000e-01 : f32
        %mul3A_166 = vector.broadcast %mul3A_165 : f32 to vector<16xf32>
        %mul3A_167 = arith.mulf %add3A_164, %mul3A_166 : vector<16xf32>
        %max3A_168 = arith.maximumf %add3A_164, %mul3A_167 : vector<16xf32>
        %sub3A_169 = arith.subf %max3A_168, %get3A_7 : vector<16xf32>
        %exp3A_170 = math.exp %sub3A_169 : vector<16xf32>
        %get3A_171 = arith.index_cast %add3A_125 : i32 to index
        %get3A_172 = arith.constant 16 : index
        %get3A_173 = tpu.vector_load %arg13[%get3A_171, %get3A_172] {strides = array<i32>} : memref<128x128xf32, #tpu.memory_space<vmem>>, vector<1x16xf32>,
        %get3A_174 = vector.shape_cast %get3A_173 : vector<1x16xf32> to vector<16xf32>
        %mul3A_175 = arith.mulf %exp3A_170, %get3A_174 : vector<16xf32>
        %swap3A_176 = arith.index_cast %add3A_125 : i32 to index
        %swap3A_177 = arith.constant 16 : index
        %swap3A_178 = tpu.vector_load %arg13[%swap3A_176, %swap3A_177] {strides = array<i32>} : memref<128x128xf32, #tpu.memory_space<vmem>>, vector<1x16xf32>,
        %swap3A_179 = vector.shape_cast %swap3A_178 : vector<1x16xf32> to vector<16xf32>
        %swap3A_180 = vector.shape_cast %mul3A_175 : vector<16xf32> to vector<1x16xf32>
        tpu.vector_store %arg13[%swap3A_176, %swap3A_177], %swap3A_180 {strides = array<i32>} : memref<128x128xf32, #tpu.memory_space<vmem>>, vector<1x16xf32>,
        %swap3A_181 = arith.index_cast %add3A_125 : i32 to index
        %swap3A_182 = arith.constant 80 : index
        %swap3A_183 = tpu.vector_load %arg13[%swap3A_181, %swap3A_182] {strides = array<i32>} : memref<128x128xf32, #tpu.memory_space<vmem>>, vector<1x16xf32>,
        %swap3A_184 = vector.shape_cast %swap3A_183 : vector<1x16xf32> to vector<16xf32>
        %swap3A_185 = vector.shape_cast %exp3A_170 : vector<16xf32> to vector<1x16xf32>
        tpu.vector_store %arg13[%swap3A_181, %swap3A_182], %swap3A_185 {strides = array<i32>} : memref<128x128xf32, #tpu.memory_space<vmem>>, vector<1x16xf32>,
        %get3A_186 = arith.index_cast %add3A_125 : i32 to index
        %get3A_187 = arith.constant 96 : index
        %get3A_188 = tpu.vector_load %arg13[%get3A_186, %get3A_187] {strides = array<i32>} : memref<128x128xf32, #tpu.memory_space<vmem>>, vector<1x16xf32>,
        %get3A_189 = vector.shape_cast %get3A_188 : vector<1x16xf32> to vector<16xf32>
        %add3A_190 = arith.constant 64 : i32
        %add3A_191 = arith.addi %add3A_190, %add3A_125 : i32
        %get3A_192 = arith.index_cast %add3A_191 : i32 to index
        %get3A_193 = arith.constant 32 : index
        %get3A_194 = tpu.vector_load %arg13[%get3A_192, %get3A_193] {strides = array<i32>} : memref<128x128xf32, #tpu.memory_space<vmem>>, vector<1x16xf32>,
        %get3A_195 = vector.shape_cast %get3A_194 : vector<1x16xf32> to vector<16xf32>
        %add3A_196 = arith.addf %get3A_189, %get3A_195 : vector<16xf32>
        %mul3A_197 = arith.constant 2.000000e-01 : f32
        %mul3A_198 = vector.broadcast %mul3A_197 : f32 to vector<16xf32>
        %mul3A_199 = arith.mulf %add3A_196, %mul3A_198 : vector<16xf32>
        %max3A_200 = arith.maximumf %add3A_196, %mul3A_199 : vector<16xf32>
        %sub3A_201 = arith.subf %max3A_200, %get3A_10 : vector<16xf32>
        %exp3A_202 = math.exp %sub3A_201 : vector<16xf32>
        %get3A_203 = arith.index_cast %add3A_125 : i32 to index
        %get3A_204 = arith.constant 32 : index
        %get3A_205 = tpu.vector_load %arg13[%get3A_203, %get3A_204] {strides = array<i32>} : memref<128x128xf32, #tpu.memory_space<vmem>>, vector<1x16xf32>,
        %get3A_206 = vector.shape_cast %get3A_205 : vector<1x16xf32> to vector<16xf32>
        %mul3A_207 = arith.mulf %exp3A_202, %get3A_206 : vector<16xf32>
        %swap3A_208 = arith.index_cast %add3A_125 : i32 to index
        %swap3A_209 = arith.constant 32 : index
        %swap3A_210 = tpu.vector_load %arg13[%swap3A_208, %swap3A_209] {strides = array<i32>} : memref<128x128xf32, #tpu.memory_space<vmem>>, vector<1x16xf32>,
        %swap3A_211 = vector.shape_cast %swap3A_210 : vector<1x16xf32> to vector<16xf32>
        %swap3A_212 = vector.shape_cast %mul3A_207 : vector<16xf32> to vector<1x16xf32>
        tpu.vector_store %arg13[%swap3A_208, %swap3A_209], %swap3A_212 {strides = array<i32>} : memref<128x128xf32, #tpu.memory_space<vmem>>, vector<1x16xf32>,
        %swap3A_213 = arith.index_cast %add3A_125 : i32 to index
        %swap3A_214 = arith.constant 96 : index
        %swap3A_215 = tpu.vector_load %arg13[%swap3A_213, %swap3A_214] {strides = array<i32>} : memref<128x128xf32, #tpu.memory_space<vmem>>, vector<1x16xf32>,
        %swap3A_216 = vector.shape_cast %swap3A_215 : vector<1x16xf32> to vector<16xf32>
        %swap3A_217 = vector.shape_cast %exp3A_202 : vector<16xf32> to vector<1x16xf32>
        tpu.vector_store %arg13[%swap3A_213, %swap3A_214], %swap3A_217 {strides = array<i32>} : memref<128x128xf32, #tpu.memory_space<vmem>>, vector<1x16xf32>,
        %get3A_218 = arith.index_cast %add3A_125 : i32 to index
        %get3A_219 = arith.constant 112 : index
        %get3A_220 = tpu.vector_load %arg13[%get3A_218, %get3A_219] {strides = array<i32>} : memref<128x128xf32, #tpu.memory_space<vmem>>, vector<1x16xf32>,
        %get3A_221 = vector.shape_cast %get3A_220 : vector<1x16xf32> to vector<16xf32>
        %add3A_222 = arith.constant 64 : i32
        %add3A_223 = arith.addi %add3A_222, %add3A_125 : i32
        %get3A_224 = arith.index_cast %add3A_223 : i32 to index
        %get3A_225 = arith.constant 48 : index
        %get3A_226 = tpu.vector_load %arg13[%get3A_224, %get3A_225] {strides = array<i32>} : memref<128x128xf32, #tpu.memory_space<vmem>>, vector<1x16xf32>,
        %get3A_227 = vector.shape_cast %get3A_226 : vector<1x16xf32> to vector<16xf32>
        %add3A_228 = arith.addf %get3A_221, %get3A_227 : vector<16xf32>
        %mul3A_229 = arith.constant 2.000000e-01 : f32
        %mul3A_230 = vector.broadcast %mul3A_229 : f32 to vector<16xf32>
        %mul3A_231 = arith.mulf %add3A_228, %mul3A_230 : vector<16xf32>
        %max3A_232 = arith.maximumf %add3A_228, %mul3A_231 : vector<16xf32>
        %sub3A_233 = arith.subf %max3A_232, %get3A_13 : vector<16xf32>
        %exp3A_234 = math.exp %sub3A_233 : vector<16xf32>
        %get3A_235 = arith.index_cast %add3A_125 : i32 to index
        %get3A_236 = arith.constant 48 : index
        %get3A_237 = tpu.vector_load %arg13[%get3A_235, %get3A_236] {strides = array<i32>} : memref<128x128xf32, #tpu.memory_space<vmem>>, vector<1x16xf32>,
        %get3A_238 = vector.shape_cast %get3A_237 : vector<1x16xf32> to vector<16xf32>
        %mul3A_239 = arith.mulf %exp3A_234, %get3A_238 : vector<16xf32>
        %swap3A_240 = arith.index_cast %add3A_125 : i32 to index
        %swap3A_241 = arith.constant 48 : index
        %swap3A_242 = tpu.vector_load %arg13[%swap3A_240, %swap3A_241] {strides = array<i32>} : memref<128x128xf32, #tpu.memory_space<vmem>>, vector<1x16xf32>,
        %swap3A_243 = vector.shape_cast %swap3A_242 : vector<1x16xf32> to vector<16xf32>
        %swap3A_244 = vector.shape_cast %mul3A_239 : vector<16xf32> to vector<1x16xf32>
        tpu.vector_store %arg13[%swap3A_240, %swap3A_241], %swap3A_244 {strides = array<i32>} : memref<128x128xf32, #tpu.memory_space<vmem>>, vector<1x16xf32>,
        %swap3A_245 = arith.index_cast %add3A_125 : i32 to index
        %swap3A_246 = arith.constant 112 : index
        %swap3A_247 = tpu.vector_load %arg13[%swap3A_245, %swap3A_246] {strides = array<i32>} : memref<128x128xf32, #tpu.memory_space<vmem>>, vector<1x16xf32>,
        %swap3A_248 = vector.shape_cast %swap3A_247 : vector<1x16xf32> to vector<16xf32>
        %swap3A_249 = vector.shape_cast %exp3A_234 : vector<16xf32> to vector<1x16xf32>
        tpu.vector_store %arg13[%swap3A_245, %swap3A_246], %swap3A_249 {strides = array<i32>} : memref<128x128xf32, #tpu.memory_space<vmem>>, vector<1x16xf32>,
      }
      %scan3A_114 = arith.constant 64 : i32
      %dma_start3A_115 = arith.constant 0 : i32
      %dma_start3A_116 = arith.constant 0 : i32
      %dma_start3A_117 = tpu.memref_slice %arg13[%dma_start3A_115, %dma_start3A_116] : memref<128x128xf32, #tpu.memory_space<vmem>> -> memref<64x128xf32, #tpu.memory_space<vmem>>
      %dma_start3A_118 = arith.constant 0 : i32
      %dma_start3A_119 = arith.constant 0 : i32
      %dma_start3A_120 = tpu.memref_slice %arg15[%dma_start3A_118, %dma_start3A_119] : memref<10112x128xf32, #tpu.memory_space<vmem_shared>> -> memref<10112x128xf32, #tpu.memory_space<vmem_shared>>
      tpu.enqueue_indirect_dma source(%dma_start3A_117 : memref<64x128xf32, #tpu.memory_space<vmem>>) target(%dma_start3A_120 : memref<10112x128xf32, #tpu.memory_space<vmem_shared>>) offsets(%arg11 : memref<64xi32, #tpu.memory_space<vmem>>) semaphore(%arg19 : memref<!tpu.dma_semaphore, #tpu.memory_space<semaphore_mem>>) {add = true}
    }
    %scan3A_29 = arith.constant 81 : i32
    %dma_wait3A = arith.constant 0 : i32
    %dma_wait3A_30 = arith.constant 0 : i32
    %dma_wait3A_31 = tpu.memref_slice %arg15[%dma_wait3A, %dma_wait3A_30] : memref<10112x128xf32, #tpu.memory_space<vmem_shared>> -> memref<64x128xf32, #tpu.memory_space<vmem_shared>>
    %dma_wait3A_32 = arith.constant 0 : i32
    %dma_wait3A_33 = arith.constant 0 : i32
    %dma_wait3A_34 = tpu.memref_slice %arg4[%dma_wait3A_32, %dma_wait3A_33] : memref<20224x128xf32, #tpu.memory_space<hbm>> -> memref<64x128xf32, #tpu.memory_space<hbm>>
    tpu.wait_dma2 semaphore(%arg19 : memref<!tpu.dma_semaphore, #tpu.memory_space<semaphore_mem>>) src(%dma_wait3A_34 : memref<64x128xf32, #tpu.memory_space<hbm>>) dst(%dma_wait3A_31 : memref<64x128xf32, #tpu.memory_space<vmem_shared>>)
    %dma_wait3A_35 = arith.constant 0 : i32
    %dma_wait3A_36 = arith.constant 0 : i32
    %dma_wait3A_37 = tpu.memref_slice %arg4[%dma_wait3A_35, %dma_wait3A_36] : memref<20224x128xf32, #tpu.memory_space<hbm>> -> memref<128x128xf32, #tpu.memory_space<hbm>>
    %dma_wait3A_38 = arith.constant 0 : i32
    %dma_wait3A_39 = arith.constant 0 : i32
    %dma_wait3A_40 = tpu.memref_slice %arg4[%dma_wait3A_38, %dma_wait3A_39] : memref<20224x128xf32, #tpu.memory_space<hbm>> -> memref<128x128xf32, #tpu.memory_space<hbm>>
    tpu.wait_dma2 semaphore(%arg16 : memref<!tpu.dma_semaphore, #tpu.memory_space<semaphore_mem>>) src(%dma_wait3A_40 : memref<128x128xf32, #tpu.memory_space<hbm>>) dst(%arg12 : memref<128x128xf32, #tpu.memory_space<vmem>>)
    %barrier3A_41 = arith.constant 0 : index
    tpu.barrier barrier_id(%barrier3A_41)
    "tpu.region"() ({
      %run_scoped3A = tpu.sem_alloc : memref<!tpu.dma_semaphore, #tpu.memory_space<semaphore_mem>>
      %dma_start3A_42 = arith.constant 0 : i32
      %dma_start3A_43 = tpu.memref_slice %arg7[%arg0, %mul3A_2, %dma_start3A_42] : memref<2x10112x128xf32, #tpu.memory_space<hbm>> -> memref<1x632x128xf32, #tpu.memory_space<hbm>>
      %dma_start3A_44 = tpu.memref_squeeze %dma_start3A_43 : memref<1x632x128xf32, #tpu.memory_space<hbm>> -> memref<632x128xf32, #tpu.memory_space<hbm>>
      %dma_start3A_45 = arith.constant 0 : i32
      %dma_start3A_46 = tpu.memref_slice %arg15[%mul3A_2, %dma_start3A_45] : memref<10112x128xf32, #tpu.memory_space<vmem_shared>> -> memref<632x128xf32, #tpu.memory_space<vmem_shared>>
      tpu.enqueue_dma source(%dma_start3A_46 : memref<632x128xf32, #tpu.memory_space<vmem_shared>>) target(%dma_start3A_44 : memref<632x128xf32, #tpu.memory_space<hbm>>) target_semaphore(%run_scoped3A : memref<!tpu.dma_semaphore, #tpu.memory_space<semaphore_mem>>)
      %dma_wait3A_47 = arith.constant 0 : i32
      %dma_wait3A_48 = tpu.memref_slice %arg7[%arg0, %mul3A_2, %dma_wait3A_47] : memref<2x10112x128xf32, #tpu.memory_space<hbm>> -> memref<1x632x128xf32, #tpu.memory_space<hbm>>
      %dma_wait3A_49 = tpu.memref_squeeze %dma_wait3A_48 : memref<1x632x128xf32, #tpu.memory_space<hbm>> -> memref<632x128xf32, #tpu.memory_space<hbm>>
      %dma_wait3A_50 = arith.constant 0 : i32
      %dma_wait3A_51 = tpu.memref_slice %arg15[%mul3A_2, %dma_wait3A_50] : memref<10112x128xf32, #tpu.memory_space<vmem_shared>> -> memref<632x128xf32, #tpu.memory_space<vmem_shared>>
      tpu.wait_dma2 semaphore(%run_scoped3A : memref<!tpu.dma_semaphore, #tpu.memory_space<semaphore_mem>>) src(%dma_wait3A_51 : memref<632x128xf32, #tpu.memory_space<vmem_shared>>) dst(%dma_wait3A_49 : memref<632x128xf32, #tpu.memory_space<hbm>>)
      tpu.yield
    }) : () -> ()
    return
  }
}

#map = affine_map<(d0, d1) -> (0)>
#map1 = affine_map<(d0, d1) -> (0, 0)>
#map2 = affine_map<(d0, d1) -> (0, 0, 0)>
module attributes {stable_mosaic.version = 14 : i64} {
  func.func @edge_kernel(%arg0: i32, %arg1: i32, %arg2: memref<663552xi32, #tpu.memory_space<hbm>>, %arg3: memref<331776xi32, #tpu.memory_space<hbm>>, %arg4: memref<20224x128xf32, #tpu.memory_space<hbm>>, %arg5: memref<128xf32, #tpu.memory_space<hbm>>, %arg6: memref<632x128xf32, #tpu.memory_space<hbm>>, %arg7: memref<2x10112x128xf32, #tpu.memory_space<hbm>>, %arg8: memref<128xi32, #tpu.memory_space<vmem>>, %arg9: memref<128xi32, #tpu.memory_space<vmem>>, %arg10: memref<64xi32, #tpu.memory_space<vmem>>, %arg11: memref<64xi32, #tpu.memory_space<vmem>>, %arg12: memref<128x128xf32, #tpu.memory_space<vmem>>, %arg13: memref<128x128xf32, #tpu.memory_space<vmem>>, %arg14: memref<128xf32, #tpu.memory_space<vmem>>, %arg15: memref<10112x128xf32, #tpu.memory_space<vmem_shared>>, %arg16: memref<!tpu.dma_semaphore, #tpu.memory_space<semaphore_mem>>, %arg17: memref<!tpu.dma_semaphore, #tpu.memory_space<semaphore_mem>>, %arg18: memref<!tpu.dma_semaphore, #tpu.memory_space<semaphore_mem>>, %arg19: memref<!tpu.dma_semaphore, #tpu.memory_space<semaphore_mem>>) attributes {dimension_semantics = [#tpu.dimension_semantics<core_parallel>, #tpu.dimension_semantics<subcore_parallel>], iteration_bounds = array<i64: 2, 16>, scalar_prefetch = 0 : i64, scratch_operands = 12 : i64, tpu.core_type = #tpu.core_type<sc_vector_subcore>, window_params = [{transform_indices = #map}, {transform_indices = #map}, {transform_indices = #map1}, {transform_indices = #map}, {transform_indices = #map1}, {transform_indices = #map2}]} {
    %mul3A = arith.constant 2 : i32
    %mul3A_0 = arith.muli %arg1, %mul3A : i32
    %add3A = arith.addi %mul3A_0, %arg0 : i32
    %mul3A_1 = arith.constant 632 : i32
    %mul3A_2 = arith.muli %arg1, %mul3A_1 : i32
    "tpu.region"() ({
      %run_scoped3A = tpu.sem_alloc : memref<!tpu.dma_semaphore, #tpu.memory_space<semaphore_mem>>
      %dma_start3A_42 = arith.constant 0 : i32
      %dma_start3A_43 = tpu.memref_slice %arg15[%mul3A_2, %dma_start3A_42] : memref<10112x128xf32, #tpu.memory_space<vmem_shared>> -> memref<632x128xf32, #tpu.memory_space<vmem_shared>>
      tpu.enqueue_dma source(%arg6 : memref<632x128xf32, #tpu.memory_space<hbm>>) target(%dma_start3A_43 : memref<632x128xf32, #tpu.memory_space<vmem_shared>>) target_semaphore(%run_scoped3A : memref<!tpu.dma_semaphore, #tpu.memory_space<semaphore_mem>>)
      %dma_wait3A_44 = arith.constant 0 : i32
      %dma_wait3A_45 = tpu.memref_slice %arg15[%mul3A_2, %dma_wait3A_44] : memref<10112x128xf32, #tpu.memory_space<vmem_shared>> -> memref<632x128xf32, #tpu.memory_space<vmem_shared>>
      tpu.wait_dma2 semaphore(%run_scoped3A : memref<!tpu.dma_semaphore, #tpu.memory_space<semaphore_mem>>) src(%arg6 : memref<632x128xf32, #tpu.memory_space<hbm>>) dst(%dma_wait3A_45 : memref<632x128xf32, #tpu.memory_space<vmem_shared>>)
      tpu.yield
    }) : () -> ()
    "tpu.region"() ({
      %run_scoped3A = tpu.sem_alloc : memref<!tpu.dma_semaphore, #tpu.memory_space<semaphore_mem>>
      tpu.enqueue_dma source(%arg5 : memref<128xf32, #tpu.memory_space<hbm>>) target(%arg14 : memref<128xf32, #tpu.memory_space<vmem>>) target_semaphore(%run_scoped3A : memref<!tpu.dma_semaphore, #tpu.memory_space<semaphore_mem>>)
      tpu.wait_dma2 semaphore(%run_scoped3A : memref<!tpu.dma_semaphore, #tpu.memory_space<semaphore_mem>>) src(%arg5 : memref<128xf32, #tpu.memory_space<hbm>>) dst(%arg14 : memref<128xf32, #tpu.memory_space<vmem>>)
      tpu.yield
    }) : () -> ()
    %barrier3A = arith.constant 0 : index
    tpu.barrier barrier_id(%barrier3A)
    %get3A = arith.constant 0 : index
    %get3A_3 = tpu.vector_load %arg14[%get3A] {strides = array<i32>} : memref<128xf32, #tpu.memory_space<vmem>>, vector<16xf32>,
    %get3A_4 = vector.shape_cast %get3A_3 : vector<16xf32> to vector<16xf32>
    %get3A_5 = arith.constant 16 : index
    %get3A_6 = tpu.vector_load %arg14[%get3A_5] {strides = array<i32>} : memref<128xf32, #tpu.memory_space<vmem>>, vector<16xf32>,
    %get3A_7 = vector.shape_cast %get3A_6 : vector<16xf32> to vector<16xf32>
    %get3A_8 = arith.constant 32 : index
    %get3A_9 = tpu.vector_load %arg14[%get3A_8] {strides = array<i32>} : memref<128xf32, #tpu.memory_space<vmem>>, vector<16xf32>,
    %get3A_10 = vector.shape_cast %get3A_9 : vector<16xf32> to vector<16xf32>
    %get3A_11 = arith.constant 48 : index
    %get3A_12 = tpu.vector_load %arg14[%get3A_11] {strides = array<i32>} : memref<128xf32, #tpu.memory_space<vmem>>, vector<16xf32>,
    %get3A_13 = vector.shape_cast %get3A_12 : vector<16xf32> to vector<16xf32>
    %mul3A_14 = arith.constant 162 : i32
    %mul3A_15 = arith.muli %add3A, %mul3A_14 : i32
    %mul3A_16 = arith.constant 10368 : i32
    %mul3A_17 = arith.muli %add3A, %mul3A_16 : i32
    %add3A_18 = arith.constant 0 : i32
    %add3A_19 = arith.addi %mul3A_15, %add3A_18 : i32
    %mul3A_20 = arith.constant 2 : i32
    %mul3A_21 = arith.muli %add3A_19, %mul3A_20 : i32
    %mul3A_22 = arith.constant 64 : i32
    %mul3A_23 = arith.muli %mul3A_21, %mul3A_22 : i32
    "tpu.region"() ({
      %run_scoped3A = tpu.sem_alloc : memref<!tpu.dma_semaphore, #tpu.memory_space<semaphore_mem>>
      %dma_start3A_42 = tpu.memref_slice %arg2[%mul3A_23] : memref<663552xi32, #tpu.memory_space<hbm>> -> memref<128xi32, #tpu.memory_space<hbm>>
      %dma_start3A_43 = tpu.memref_slice %arg2[%mul3A_23] : memref<663552xi32, #tpu.memory_space<hbm>> -> memref<128xi32, #tpu.memory_space<hbm>>
      tpu.enqueue_dma source(%dma_start3A_43 : memref<128xi32, #tpu.memory_space<hbm>>) target(%arg8 : memref<128xi32, #tpu.memory_space<vmem>>) target_semaphore(%run_scoped3A : memref<!tpu.dma_semaphore, #tpu.memory_space<semaphore_mem>>)
      %dma_wait3A_44 = tpu.memref_slice %arg2[%mul3A_23] : memref<663552xi32, #tpu.memory_space<hbm>> -> memref<128xi32, #tpu.memory_space<hbm>>
      %dma_wait3A_45 = tpu.memref_slice %arg2[%mul3A_23] : memref<663552xi32, #tpu.memory_space<hbm>> -> memref<128xi32, #tpu.memory_space<hbm>>
      tpu.wait_dma2 semaphore(%run_scoped3A : memref<!tpu.dma_semaphore, #tpu.memory_space<semaphore_mem>>) src(%dma_wait3A_45 : memref<128xi32, #tpu.memory_space<hbm>>) dst(%arg8 : memref<128xi32, #tpu.memory_space<vmem>>)
      tpu.yield
    }) : () -> ()
    %dma_start3A = arith.constant 0 : i32
    %dma_start3A_24 = arith.constant 0 : i32
    %dma_start3A_25 = tpu.memref_slice %arg4[%dma_start3A, %dma_start3A_24] : memref<20224x128xf32, #tpu.memory_space<hbm>> -> memref<20224x128xf32, #tpu.memory_space<hbm>>
    tpu.enqueue_indirect_dma source(%dma_start3A_25 : memref<20224x128xf32, #tpu.memory_space<hbm>>) target(%arg12 : memref<128x128xf32, #tpu.memory_space<vmem>>) offsets(%arg8 : memref<128xi32, #tpu.memory_space<vmem>>) semaphore(%arg16 : memref<!tpu.dma_semaphore, #tpu.memory_space<semaphore_mem>>)
    %scan3A = arith.constant 0 : i32
    %scan3A_26 = arith.constant 81 : i32
    %scan3A_27 = arith.addi %scan3A, %scan3A_26 : i32
    %scan3A_28 = arith.constant 1 : i32
    scf.for %scan3A_42 = %scan3A to %scan3A_27 step %scan3A_28  : i32 {
      %mul3A_43 = arith.constant 2 : i32
      %mul3A_44 = arith.muli %scan3A_42, %mul3A_43 : i32
      %add3A_45 = arith.constant 0 : i32
      %add3A_46 = arith.addi %add3A_45, %mul3A_44 : i32
      %add3A_47 = arith.constant 0 : i32
      %add3A_48 = arith.addi %add3A_46, %add3A_47 : i32
      %dma_wait3A_49 = arith.constant 0 : i32
      %dma_wait3A_50 = arith.constant 0 : i32
      %dma_wait3A_51 = tpu.memref_slice %arg4[%dma_wait3A_49, %dma_wait3A_50] : memref<20224x128xf32, #tpu.memory_space<hbm>> -> memref<128x128xf32, #tpu.memory_space<hbm>>
      %dma_wait3A_52 = arith.constant 0 : i32
      %dma_wait3A_53 = arith.constant 0 : i32
      %dma_wait3A_54 = tpu.memref_slice %arg4[%dma_wait3A_52, %dma_wait3A_53] : memref<20224x128xf32, #tpu.memory_space<hbm>> -> memref<128x128xf32, #tpu.memory_space<hbm>>
      tpu.wait_dma2 semaphore(%arg16 : memref<!tpu.dma_semaphore, #tpu.memory_space<semaphore_mem>>) src(%dma_wait3A_54 : memref<128x128xf32, #tpu.memory_space<hbm>>) dst(%arg12 : memref<128x128xf32, #tpu.memory_space<vmem>>)
      %ge3A = arith.constant 1 : i32
      %ge3A_55 = arith.cmpi sge, %add3A_48, %ge3A : i32
      %convert_element_type3A = arith.extui %ge3A_55 : i1 to i32
      %cond3A = arith.constant 0 : i32
      %cond3A_56 = arith.cmpi ne, %convert_element_type3A, %cond3A : i32
      scf.if %cond3A_56 {
        %dma_wait3A_121 = arith.constant 0 : i32
        %dma_wait3A_122 = arith.constant 0 : i32
        %dma_wait3A_123 = tpu.memref_slice %arg15[%dma_wait3A_121, %dma_wait3A_122] : memref<10112x128xf32, #tpu.memory_space<vmem_shared>> -> memref<64x128xf32, #tpu.memory_space<vmem_shared>>
        %dma_wait3A_124 = arith.constant 0 : i32
        %dma_wait3A_125 = arith.constant 0 : i32
        %dma_wait3A_126 = tpu.memref_slice %arg4[%dma_wait3A_124, %dma_wait3A_125] : memref<20224x128xf32, #tpu.memory_space<hbm>> -> memref<64x128xf32, #tpu.memory_space<hbm>>
        tpu.wait_dma2 semaphore(%arg19 : memref<!tpu.dma_semaphore, #tpu.memory_space<semaphore_mem>>) src(%dma_wait3A_126 : memref<64x128xf32, #tpu.memory_space<hbm>>) dst(%dma_wait3A_123 : memref<64x128xf32, #tpu.memory_space<vmem_shared>>)
      } else {
      }
      %add3A_57 = arith.constant 1 : i32
      %add3A_58 = arith.addi %add3A_48, %add3A_57 : i32
      %min3A = arith.constant 161 : i32
      %min3A_59 = arith.minsi %add3A_58, %min3A : i32
      %add3A_60 = arith.addi %mul3A_15, %min3A_59 : i32
      %mul3A_61 = arith.constant 2 : i32
      %mul3A_62 = arith.muli %add3A_60, %mul3A_61 : i32
      %mul3A_63 = arith.constant 64 : i32
      %mul3A_64 = arith.muli %mul3A_62, %mul3A_63 : i32
      "tpu.region"() ({
        %run_scoped3A = tpu.sem_alloc : memref<!tpu.dma_semaphore, #tpu.memory_space<semaphore_mem>>
        %dma_start3A_121 = tpu.memref_slice %arg2[%mul3A_64] : memref<663552xi32, #tpu.memory_space<hbm>> -> memref<128xi32, #tpu.memory_space<hbm>>
        %dma_start3A_122 = tpu.memref_slice %arg2[%mul3A_64] : memref<663552xi32, #tpu.memory_space<hbm>> -> memref<128xi32, #tpu.memory_space<hbm>>
        tpu.enqueue_dma source(%dma_start3A_122 : memref<128xi32, #tpu.memory_space<hbm>>) target(%arg9 : memref<128xi32, #tpu.memory_space<vmem>>) target_semaphore(%run_scoped3A : memref<!tpu.dma_semaphore, #tpu.memory_space<semaphore_mem>>)
        %dma_wait3A_123 = tpu.memref_slice %arg2[%mul3A_64] : memref<663552xi32, #tpu.memory_space<hbm>> -> memref<128xi32, #tpu.memory_space<hbm>>
        %dma_wait3A_124 = tpu.memref_slice %arg2[%mul3A_64] : memref<663552xi32, #tpu.memory_space<hbm>> -> memref<128xi32, #tpu.memory_space<hbm>>
        tpu.wait_dma2 semaphore(%run_scoped3A : memref<!tpu.dma_semaphore, #tpu.memory_space<semaphore_mem>>) src(%dma_wait3A_124 : memref<128xi32, #tpu.memory_space<hbm>>) dst(%arg9 : memref<128xi32, #tpu.memory_space<vmem>>)
        tpu.yield
      }) : () -> ()
      %dma_start3A_65 = arith.constant 0 : i32
      %dma_start3A_66 = arith.constant 0 : i32
      %dma_start3A_67 = tpu.memref_slice %arg4[%dma_start3A_65, %dma_start3A_66] : memref<20224x128xf32, #tpu.memory_space<hbm>> -> memref<20224x128xf32, #tpu.memory_space<hbm>>
      tpu.enqueue_indirect_dma source(%dma_start3A_67 : memref<20224x128xf32, #tpu.memory_space<hbm>>) target(%arg13 : memref<128x128xf32, #tpu.memory_space<vmem>>) offsets(%arg9 : memref<128xi32, #tpu.memory_space<vmem>>) semaphore(%arg17 : memref<!tpu.dma_semaphore, #tpu.memory_space<semaphore_mem>>)
      %mul3A_68 = arith.constant 64 : i32
      %mul3A_69 = arith.muli %add3A_48, %mul3A_68 : i32
      %add3A_70 = arith.addi %mul3A_17, %mul3A_69 : i32
      "tpu.region"() ({
        %run_scoped3A = tpu.sem_alloc : memref<!tpu.dma_semaphore, #tpu.memory_space<semaphore_mem>>
        %dma_start3A_121 = tpu.memref_slice %arg3[%add3A_70] : memref<331776xi32, #tpu.memory_space<hbm>> -> memref<64xi32, #tpu.memory_space<hbm>>
        %dma_start3A_122 = tpu.memref_slice %arg3[%add3A_70] : memref<331776xi32, #tpu.memory_space<hbm>> -> memref<64xi32, #tpu.memory_space<hbm>>
        tpu.enqueue_dma source(%dma_start3A_122 : memref<64xi32, #tpu.memory_space<hbm>>) target(%arg10 : memref<64xi32, #tpu.memory_space<vmem>>) target_semaphore(%run_scoped3A : memref<!tpu.dma_semaphore, #tpu.memory_space<semaphore_mem>>)
        %dma_wait3A_123 = tpu.memref_slice %arg3[%add3A_70] : memref<331776xi32, #tpu.memory_space<hbm>> -> memref<64xi32, #tpu.memory_space<hbm>>
        %dma_wait3A_124 = tpu.memref_slice %arg3[%add3A_70] : memref<331776xi32, #tpu.memory_space<hbm>> -> memref<64xi32, #tpu.memory_space<hbm>>
        tpu.wait_dma2 semaphore(%run_scoped3A : memref<!tpu.dma_semaphore, #tpu.memory_space<semaphore_mem>>) src(%dma_wait3A_124 : memref<64xi32, #tpu.memory_space<hbm>>) dst(%arg10 : memref<64xi32, #tpu.memory_space<vmem>>)
        tpu.yield
      }) : () -> ()
      %scan3A_71 = arith.constant 0 : i32
      %scan3A_72 = arith.constant 64 : i32
      %scan3A_73 = arith.addi %scan3A_71, %scan3A_72 : i32
      %scan3A_74 = arith.constant 1 : i32
      scf.for %scan3A_121 = %scan3A_71 to %scan3A_73 step %scan3A_74  : i32 {
        %mul3A_122 = arith.constant 1 : i32
        %mul3A_123 = arith.muli %scan3A_121, %mul3A_122 : i32
        %add3A_124 = arith.constant 0 : i32
        %add3A_125 = arith.addi %add3A_124, %mul3A_123 : i32
        %get3A_126 = arith.index_cast %add3A_125 : i32 to index
        %get3A_127 = arith.constant 64 : index
        %get3A_128 = tpu.vector_load %arg12[%get3A_126, %get3A_127] {strides = array<i32>} : memref<128x128xf32, #tpu.memory_space<vmem>>, vector<1x16xf32>,
        %get3A_129 = vector.shape_cast %get3A_128 : vector<1x16xf32> to vector<16xf32>
        %add3A_130 = arith.constant 64 : i32
        %add3A_131 = arith.addi %add3A_130, %add3A_125 : i32
        %get3A_132 = arith.index_cast %add3A_131 : i32 to index
        %get3A_133 = arith.constant 0 : index
        %get3A_134 = tpu.vector_load %arg12[%get3A_132, %get3A_133] {strides = array<i32>} : memref<128x128xf32, #tpu.memory_space<vmem>>, vector<1x16xf32>,
        %get3A_135 = vector.shape_cast %get3A_134 : vector<1x16xf32> to vector<16xf32>
        %add3A_136 = arith.addf %get3A_129, %get3A_135 : vector<16xf32>
        %mul3A_137 = arith.constant 2.000000e-01 : f32
        %mul3A_138 = vector.broadcast %mul3A_137 : f32 to vector<16xf32>
        %mul3A_139 = arith.mulf %add3A_136, %mul3A_138 : vector<16xf32>
        %max3A = arith.maximumf %add3A_136, %mul3A_139 : vector<16xf32>
        %sub3A = arith.subf %max3A, %get3A_4 : vector<16xf32>
        %exp3A = math.exp %sub3A : vector<16xf32>
        %get3A_140 = arith.index_cast %add3A_125 : i32 to index
        %get3A_141 = arith.constant 0 : index
        %get3A_142 = tpu.vector_load %arg12[%get3A_140, %get3A_141] {strides = array<i32>} : memref<128x128xf32, #tpu.memory_space<vmem>>, vector<1x16xf32>,
        %get3A_143 = vector.shape_cast %get3A_142 : vector<1x16xf32> to vector<16xf32>
        %mul3A_144 = arith.mulf %exp3A, %get3A_143 : vector<16xf32>
        %swap3A = arith.index_cast %add3A_125 : i32 to index
        %swap3A_145 = arith.constant 0 : index
        %swap3A_146 = tpu.vector_load %arg12[%swap3A, %swap3A_145] {strides = array<i32>} : memref<128x128xf32, #tpu.memory_space<vmem>>, vector<1x16xf32>,
        %swap3A_147 = vector.shape_cast %swap3A_146 : vector<1x16xf32> to vector<16xf32>
        %swap3A_148 = vector.shape_cast %mul3A_144 : vector<16xf32> to vector<1x16xf32>
        tpu.vector_store %arg12[%swap3A, %swap3A_145], %swap3A_148 {strides = array<i32>} : memref<128x128xf32, #tpu.memory_space<vmem>>, vector<1x16xf32>,
        %swap3A_149 = arith.index_cast %add3A_125 : i32 to index
        %swap3A_150 = arith.constant 64 : index
        %swap3A_151 = tpu.vector_load %arg12[%swap3A_149, %swap3A_150] {strides = array<i32>} : memref<128x128xf32, #tpu.memory_space<vmem>>, vector<1x16xf32>,
        %swap3A_152 = vector.shape_cast %swap3A_151 : vector<1x16xf32> to vector<16xf32>
        %swap3A_153 = vector.shape_cast %exp3A : vector<16xf32> to vector<1x16xf32>
        tpu.vector_store %arg12[%swap3A_149, %swap3A_150], %swap3A_153 {strides = array<i32>} : memref<128x128xf32, #tpu.memory_space<vmem>>, vector<1x16xf32>,
        %get3A_154 = arith.index_cast %add3A_125 : i32 to index
        %get3A_155 = arith.constant 80 : index
        %get3A_156 = tpu.vector_load %arg12[%get3A_154, %get3A_155] {strides = array<i32>} : memref<128x128xf32, #tpu.memory_space<vmem>>, vector<1x16xf32>,
        %get3A_157 = vector.shape_cast %get3A_156 : vector<1x16xf32> to vector<16xf32>
        %add3A_158 = arith.constant 64 : i32
        %add3A_159 = arith.addi %add3A_158, %add3A_125 : i32
        %get3A_160 = arith.index_cast %add3A_159 : i32 to index
        %get3A_161 = arith.constant 16 : index
        %get3A_162 = tpu.vector_load %arg12[%get3A_160, %get3A_161] {strides = array<i32>} : memref<128x128xf32, #tpu.memory_space<vmem>>, vector<1x16xf32>,
        %get3A_163 = vector.shape_cast %get3A_162 : vector<1x16xf32> to vector<16xf32>
        %add3A_164 = arith.addf %get3A_157, %get3A_163 : vector<16xf32>
        %mul3A_165 = arith.constant 2.000000e-01 : f32
        %mul3A_166 = vector.broadcast %mul3A_165 : f32 to vector<16xf32>
        %mul3A_167 = arith.mulf %add3A_164, %mul3A_166 : vector<16xf32>
        %max3A_168 = arith.maximumf %add3A_164, %mul3A_167 : vector<16xf32>
        %sub3A_169 = arith.subf %max3A_168, %get3A_7 : vector<16xf32>
        %exp3A_170 = math.exp %sub3A_169 : vector<16xf32>
        %get3A_171 = arith.index_cast %add3A_125 : i32 to index
        %get3A_172 = arith.constant 16 : index
        %get3A_173 = tpu.vector_load %arg12[%get3A_171, %get3A_172] {strides = array<i32>} : memref<128x128xf32, #tpu.memory_space<vmem>>, vector<1x16xf32>,
        %get3A_174 = vector.shape_cast %get3A_173 : vector<1x16xf32> to vector<16xf32>
        %mul3A_175 = arith.mulf %exp3A_170, %get3A_174 : vector<16xf32>
        %swap3A_176 = arith.index_cast %add3A_125 : i32 to index
        %swap3A_177 = arith.constant 16 : index
        %swap3A_178 = tpu.vector_load %arg12[%swap3A_176, %swap3A_177] {strides = array<i32>} : memref<128x128xf32, #tpu.memory_space<vmem>>, vector<1x16xf32>,
        %swap3A_179 = vector.shape_cast %swap3A_178 : vector<1x16xf32> to vector<16xf32>
        %swap3A_180 = vector.shape_cast %mul3A_175 : vector<16xf32> to vector<1x16xf32>
        tpu.vector_store %arg12[%swap3A_176, %swap3A_177], %swap3A_180 {strides = array<i32>} : memref<128x128xf32, #tpu.memory_space<vmem>>, vector<1x16xf32>,
        %swap3A_181 = arith.index_cast %add3A_125 : i32 to index
        %swap3A_182 = arith.constant 80 : index
        %swap3A_183 = tpu.vector_load %arg12[%swap3A_181, %swap3A_182] {strides = array<i32>} : memref<128x128xf32, #tpu.memory_space<vmem>>, vector<1x16xf32>,
        %swap3A_184 = vector.shape_cast %swap3A_183 : vector<1x16xf32> to vector<16xf32>
        %swap3A_185 = vector.shape_cast %exp3A_170 : vector<16xf32> to vector<1x16xf32>
        tpu.vector_store %arg12[%swap3A_181, %swap3A_182], %swap3A_185 {strides = array<i32>} : memref<128x128xf32, #tpu.memory_space<vmem>>, vector<1x16xf32>,
        %get3A_186 = arith.index_cast %add3A_125 : i32 to index
        %get3A_187 = arith.constant 96 : index
        %get3A_188 = tpu.vector_load %arg12[%get3A_186, %get3A_187] {strides = array<i32>} : memref<128x128xf32, #tpu.memory_space<vmem>>, vector<1x16xf32>,
        %get3A_189 = vector.shape_cast %get3A_188 : vector<1x16xf32> to vector<16xf32>
        %add3A_190 = arith.constant 64 : i32
        %add3A_191 = arith.addi %add3A_190, %add3A_125 : i32
        %get3A_192 = arith.index_cast %add3A_191 : i32 to index
        %get3A_193 = arith.constant 32 : index
        %get3A_194 = tpu.vector_load %arg12[%get3A_192, %get3A_193] {strides = array<i32>} : memref<128x128xf32, #tpu.memory_space<vmem>>, vector<1x16xf32>,
        %get3A_195 = vector.shape_cast %get3A_194 : vector<1x16xf32> to vector<16xf32>
        %add3A_196 = arith.addf %get3A_189, %get3A_195 : vector<16xf32>
        %mul3A_197 = arith.constant 2.000000e-01 : f32
        %mul3A_198 = vector.broadcast %mul3A_197 : f32 to vector<16xf32>
        %mul3A_199 = arith.mulf %add3A_196, %mul3A_198 : vector<16xf32>
        %max3A_200 = arith.maximumf %add3A_196, %mul3A_199 : vector<16xf32>
        %sub3A_201 = arith.subf %max3A_200, %get3A_10 : vector<16xf32>
        %exp3A_202 = math.exp %sub3A_201 : vector<16xf32>
        %get3A_203 = arith.index_cast %add3A_125 : i32 to index
        %get3A_204 = arith.constant 32 : index
        %get3A_205 = tpu.vector_load %arg12[%get3A_203, %get3A_204] {strides = array<i32>} : memref<128x128xf32, #tpu.memory_space<vmem>>, vector<1x16xf32>,
        %get3A_206 = vector.shape_cast %get3A_205 : vector<1x16xf32> to vector<16xf32>
        %mul3A_207 = arith.mulf %exp3A_202, %get3A_206 : vector<16xf32>
        %swap3A_208 = arith.index_cast %add3A_125 : i32 to index
        %swap3A_209 = arith.constant 32 : index
        %swap3A_210 = tpu.vector_load %arg12[%swap3A_208, %swap3A_209] {strides = array<i32>} : memref<128x128xf32, #tpu.memory_space<vmem>>, vector<1x16xf32>,
        %swap3A_211 = vector.shape_cast %swap3A_210 : vector<1x16xf32> to vector<16xf32>
        %swap3A_212 = vector.shape_cast %mul3A_207 : vector<16xf32> to vector<1x16xf32>
        tpu.vector_store %arg12[%swap3A_208, %swap3A_209], %swap3A_212 {strides = array<i32>} : memref<128x128xf32, #tpu.memory_space<vmem>>, vector<1x16xf32>,
        %swap3A_213 = arith.index_cast %add3A_125 : i32 to index
        %swap3A_214 = arith.constant 96 : index
        %swap3A_215 = tpu.vector_load %arg12[%swap3A_213, %swap3A_214] {strides = array<i32>} : memref<128x128xf32, #tpu.memory_space<vmem>>, vector<1x16xf32>,
        %swap3A_216 = vector.shape_cast %swap3A_215 : vector<1x16xf32> to vector<16xf32>
        %swap3A_217 = vector.shape_cast %exp3A_202 : vector<16xf32> to vector<1x16xf32>
        tpu.vector_store %arg12[%swap3A_213, %swap3A_214], %swap3A_217 {strides = array<i32>} : memref<128x128xf32, #tpu.memory_space<vmem>>, vector<1x16xf32>,
        %get3A_218 = arith.index_cast %add3A_125 : i32 to index
        %get3A_219 = arith.constant 112 : index
        %get3A_220 = tpu.vector_load %arg12[%get3A_218, %get3A_219] {strides = array<i32>} : memref<128x128xf32, #tpu.memory_space<vmem>>, vector<1x16xf32>,
        %get3A_221 = vector.shape_cast %get3A_220 : vector<1x16xf32> to vector<16xf32>
        %add3A_222 = arith.constant 64 : i32
        %add3A_223 = arith.addi %add3A_222, %add3A_125 : i32
        %get3A_224 = arith.index_cast %add3A_223 : i32 to index
        %get3A_225 = arith.constant 48 : index
        %get3A_226 = tpu.vector_load %arg12[%get3A_224, %get3A_225] {strides = array<i32>} : memref<128x128xf32, #tpu.memory_space<vmem>>, vector<1x16xf32>,
        %get3A_227 = vector.shape_cast %get3A_226 : vector<1x16xf32> to vector<16xf32>
        %add3A_228 = arith.addf %get3A_221, %get3A_227 : vector<16xf32>
        %mul3A_229 = arith.constant 2.000000e-01 : f32
        %mul3A_230 = vector.broadcast %mul3A_229 : f32 to vector<16xf32>
        %mul3A_231 = arith.mulf %add3A_228, %mul3A_230 : vector<16xf32>
        %max3A_232 = arith.maximumf %add3A_228, %mul3A_231 : vector<16xf32>
        %sub3A_233 = arith.subf %max3A_232, %get3A_13 : vector<16xf32>
        %exp3A_234 = math.exp %sub3A_233 : vector<16xf32>
        %get3A_235 = arith.index_cast %add3A_125 : i32 to index
        %get3A_236 = arith.constant 48 : index
        %get3A_237 = tpu.vector_load %arg12[%get3A_235, %get3A_236] {strides = array<i32>} : memref<128x128xf32, #tpu.memory_space<vmem>>, vector<1x16xf32>,
        %get3A_238 = vector.shape_cast %get3A_237 : vector<1x16xf32> to vector<16xf32>
        %mul3A_239 = arith.mulf %exp3A_234, %get3A_238 : vector<16xf32>
        %swap3A_240 = arith.index_cast %add3A_125 : i32 to index
        %swap3A_241 = arith.constant 48 : index
        %swap3A_242 = tpu.vector_load %arg12[%swap3A_240, %swap3A_241] {strides = array<i32>} : memref<128x128xf32, #tpu.memory_space<vmem>>, vector<1x16xf32>,
        %swap3A_243 = vector.shape_cast %swap3A_242 : vector<1x16xf32> to vector<16xf32>
        %swap3A_244 = vector.shape_cast %mul3A_239 : vector<16xf32> to vector<1x16xf32>
        tpu.vector_store %arg12[%swap3A_240, %swap3A_241], %swap3A_244 {strides = array<i32>} : memref<128x128xf32, #tpu.memory_space<vmem>>, vector<1x16xf32>,
        %swap3A_245 = arith.index_cast %add3A_125 : i32 to index
        %swap3A_246 = arith.constant 112 : index
        %swap3A_247 = tpu.vector_load %arg12[%swap3A_245, %swap3A_246] {strides = array<i32>} : memref<128x128xf32, #tpu.memory_space<vmem>>, vector<1x16xf32>,
        %swap3A_248 = vector.shape_cast %swap3A_247 : vector<1x16xf32> to vector<16xf32>
        %swap3A_249 = vector.shape_cast %exp3A_234 : vector<16xf32> to vector<1x16xf32>
        tpu.vector_store %arg12[%swap3A_245, %swap3A_246], %swap3A_249 {strides = array<i32>} : memref<128x128xf32, #tpu.memory_space<vmem>>, vector<1x16xf32>,
      }
      %scan3A_75 = arith.constant 64 : i32
      %dma_start3A_76 = arith.constant 0 : i32
      %dma_start3A_77 = arith.constant 0 : i32
      %dma_start3A_78 = tpu.memref_slice %arg12[%dma_start3A_76, %dma_start3A_77] : memref<128x128xf32, #tpu.memory_space<vmem>> -> memref<64x128xf32, #tpu.memory_space<vmem>>
      %dma_start3A_79 = arith.constant 0 : i32
      %dma_start3A_80 = arith.constant 0 : i32
      %dma_start3A_81 = tpu.memref_slice %arg15[%dma_start3A_79, %dma_start3A_80] : memref<10112x128xf32, #tpu.memory_space<vmem_shared>> -> memref<10112x128xf32, #tpu.memory_space<vmem_shared>>
      tpu.enqueue_indirect_dma source(%dma_start3A_78 : memref<64x128xf32, #tpu.memory_space<vmem>>) target(%dma_start3A_81 : memref<10112x128xf32, #tpu.memory_space<vmem_shared>>) offsets(%arg10 : memref<64xi32, #tpu.memory_space<vmem>>) semaphore(%arg18 : memref<!tpu.dma_semaphore, #tpu.memory_space<semaphore_mem>>) {add = true}
      %add3A_82 = arith.constant 1 : i32
      %add3A_83 = arith.addi %add3A_46, %add3A_82 : i32
      %dma_wait3A_84 = arith.constant 0 : i32
      %dma_wait3A_85 = arith.constant 0 : i32
      %dma_wait3A_86 = tpu.memref_slice %arg4[%dma_wait3A_84, %dma_wait3A_85] : memref<20224x128xf32, #tpu.memory_space<hbm>> -> memref<128x128xf32, #tpu.memory_space<hbm>>
      %dma_wait3A_87 = arith.constant 0 : i32
      %dma_wait3A_88 = arith.constant 0 : i32
      %dma_wait3A_89 = tpu.memref_slice %arg4[%dma_wait3A_87, %dma_wait3A_88] : memref<20224x128xf32, #tpu.memory_space<hbm>> -> memref<128x128xf32, #tpu.memory_space<hbm>>
      tpu.wait_dma2 semaphore(%arg17 : memref<!tpu.dma_semaphore, #tpu.memory_space<semaphore_mem>>) src(%dma_wait3A_89 : memref<128x128xf32, #tpu.memory_space<hbm>>) dst(%arg13 : memref<128x128xf32, #tpu.memory_space<vmem>>)
      %ge3A_90 = arith.constant 1 : i32
      %ge3A_91 = arith.cmpi sge, %add3A_83, %ge3A_90 : i32
      %convert_element_type3A_92 = arith.extui %ge3A_91 : i1 to i32
      %cond3A_93 = arith.constant 0 : i32
      %cond3A_94 = arith.cmpi ne, %convert_element_type3A_92, %cond3A_93 : i32
      scf.if %cond3A_94 {
        %dma_wait3A_121 = arith.constant 0 : i32
        %dma_wait3A_122 = arith.constant 0 : i32
        %dma_wait3A_123 = tpu.memref_slice %arg15[%dma_wait3A_121, %dma_wait3A_122] : memref<10112x128xf32, #tpu.memory_space<vmem_shared>> -> memref<64x128xf32, #tpu.memory_space<vmem_shared>>
        %dma_wait3A_124 = arith.constant 0 : i32
        %dma_wait3A_125 = arith.constant 0 : i32
        %dma_wait3A_126 = tpu.memref_slice %arg4[%dma_wait3A_124, %dma_wait3A_125] : memref<20224x128xf32, #tpu.memory_space<hbm>> -> memref<64x128xf32, #tpu.memory_space<hbm>>
        tpu.wait_dma2 semaphore(%arg18 : memref<!tpu.dma_semaphore, #tpu.memory_space<semaphore_mem>>) src(%dma_wait3A_126 : memref<64x128xf32, #tpu.memory_space<hbm>>) dst(%dma_wait3A_123 : memref<64x128xf32, #tpu.memory_space<vmem_shared>>)
      } else {
      }
      %add3A_95 = arith.constant 1 : i32
      %add3A_96 = arith.addi %add3A_83, %add3A_95 : i32
      %min3A_97 = arith.constant 161 : i32
      %min3A_98 = arith.minsi %add3A_96, %min3A_97 : i32
      %add3A_99 = arith.addi %mul3A_15, %min3A_98 : i32
      %mul3A_100 = arith.constant 2 : i32
      %mul3A_101 = arith.muli %add3A_99, %mul3A_100 : i32
      %mul3A_102 = arith.constant 64 : i32
      %mul3A_103 = arith.muli %mul3A_101, %mul3A_102 : i32
      "tpu.region"() ({
        %run_scoped3A = tpu.sem_alloc : memref<!tpu.dma_semaphore, #tpu.memory_space<semaphore_mem>>
        %dma_start3A_121 = tpu.memref_slice %arg2[%mul3A_103] : memref<663552xi32, #tpu.memory_space<hbm>> -> memref<128xi32, #tpu.memory_space<hbm>>
        %dma_start3A_122 = tpu.memref_slice %arg2[%mul3A_103] : memref<663552xi32, #tpu.memory_space<hbm>> -> memref<128xi32, #tpu.memory_space<hbm>>
        tpu.enqueue_dma source(%dma_start3A_122 : memref<128xi32, #tpu.memory_space<hbm>>) target(%arg8 : memref<128xi32, #tpu.memory_space<vmem>>) target_semaphore(%run_scoped3A : memref<!tpu.dma_semaphore, #tpu.memory_space<semaphore_mem>>)
        %dma_wait3A_123 = tpu.memref_slice %arg2[%mul3A_103] : memref<663552xi32, #tpu.memory_space<hbm>> -> memref<128xi32, #tpu.memory_space<hbm>>
        %dma_wait3A_124 = tpu.memref_slice %arg2[%mul3A_103] : memref<663552xi32, #tpu.memory_space<hbm>> -> memref<128xi32, #tpu.memory_space<hbm>>
        tpu.wait_dma2 semaphore(%run_scoped3A : memref<!tpu.dma_semaphore, #tpu.memory_space<semaphore_mem>>) src(%dma_wait3A_124 : memref<128xi32, #tpu.memory_space<hbm>>) dst(%arg8 : memref<128xi32, #tpu.memory_space<vmem>>)
        tpu.yield
      }) : () -> ()
      %dma_start3A_104 = arith.constant 0 : i32
      %dma_start3A_105 = arith.constant 0 : i32
      %dma_start3A_106 = tpu.memref_slice %arg4[%dma_start3A_104, %dma_start3A_105] : memref<20224x128xf32, #tpu.memory_space<hbm>> -> memref<20224x128xf32, #tpu.memory_space<hbm>>
      tpu.enqueue_indirect_dma source(%dma_start3A_106 : memref<20224x128xf32, #tpu.memory_space<hbm>>) target(%arg12 : memref<128x128xf32, #tpu.memory_space<vmem>>) offsets(%arg8 : memref<128xi32, #tpu.memory_space<vmem>>) semaphore(%arg16 : memref<!tpu.dma_semaphore, #tpu.memory_space<semaphore_mem>>)
      %mul3A_107 = arith.constant 64 : i32
      %mul3A_108 = arith.muli %add3A_83, %mul3A_107 : i32
      %add3A_109 = arith.addi %mul3A_17, %mul3A_108 : i32
      "tpu.region"() ({
        %run_scoped3A = tpu.sem_alloc : memref<!tpu.dma_semaphore, #tpu.memory_space<semaphore_mem>>
        %dma_start3A_121 = tpu.memref_slice %arg3[%add3A_109] : memref<331776xi32, #tpu.memory_space<hbm>> -> memref<64xi32, #tpu.memory_space<hbm>>
        %dma_start3A_122 = tpu.memref_slice %arg3[%add3A_109] : memref<331776xi32, #tpu.memory_space<hbm>> -> memref<64xi32, #tpu.memory_space<hbm>>
        tpu.enqueue_dma source(%dma_start3A_122 : memref<64xi32, #tpu.memory_space<hbm>>) target(%arg11 : memref<64xi32, #tpu.memory_space<vmem>>) target_semaphore(%run_scoped3A : memref<!tpu.dma_semaphore, #tpu.memory_space<semaphore_mem>>)
        %dma_wait3A_123 = tpu.memref_slice %arg3[%add3A_109] : memref<331776xi32, #tpu.memory_space<hbm>> -> memref<64xi32, #tpu.memory_space<hbm>>
        %dma_wait3A_124 = tpu.memref_slice %arg3[%add3A_109] : memref<331776xi32, #tpu.memory_space<hbm>> -> memref<64xi32, #tpu.memory_space<hbm>>
        tpu.wait_dma2 semaphore(%run_scoped3A : memref<!tpu.dma_semaphore, #tpu.memory_space<semaphore_mem>>) src(%dma_wait3A_124 : memref<64xi32, #tpu.memory_space<hbm>>) dst(%arg11 : memref<64xi32, #tpu.memory_space<vmem>>)
        tpu.yield
      }) : () -> ()
      %scan3A_110 = arith.constant 0 : i32
      %scan3A_111 = arith.constant 64 : i32
      %scan3A_112 = arith.addi %scan3A_110, %scan3A_111 : i32
      %scan3A_113 = arith.constant 1 : i32
      scf.for %scan3A_121 = %scan3A_110 to %scan3A_112 step %scan3A_113  : i32 {
        %mul3A_122 = arith.constant 1 : i32
        %mul3A_123 = arith.muli %scan3A_121, %mul3A_122 : i32
        %add3A_124 = arith.constant 0 : i32
        %add3A_125 = arith.addi %add3A_124, %mul3A_123 : i32
        %get3A_126 = arith.index_cast %add3A_125 : i32 to index
        %get3A_127 = arith.constant 64 : index
        %get3A_128 = tpu.vector_load %arg13[%get3A_126, %get3A_127] {strides = array<i32>} : memref<128x128xf32, #tpu.memory_space<vmem>>, vector<1x16xf32>,
        %get3A_129 = vector.shape_cast %get3A_128 : vector<1x16xf32> to vector<16xf32>
        %add3A_130 = arith.constant 64 : i32
        %add3A_131 = arith.addi %add3A_130, %add3A_125 : i32
        %get3A_132 = arith.index_cast %add3A_131 : i32 to index
        %get3A_133 = arith.constant 0 : index
        %get3A_134 = tpu.vector_load %arg13[%get3A_132, %get3A_133] {strides = array<i32>} : memref<128x128xf32, #tpu.memory_space<vmem>>, vector<1x16xf32>,
        %get3A_135 = vector.shape_cast %get3A_134 : vector<1x16xf32> to vector<16xf32>
        %add3A_136 = arith.addf %get3A_129, %get3A_135 : vector<16xf32>
        %mul3A_137 = arith.constant 2.000000e-01 : f32
        %mul3A_138 = vector.broadcast %mul3A_137 : f32 to vector<16xf32>
        %mul3A_139 = arith.mulf %add3A_136, %mul3A_138 : vector<16xf32>
        %max3A = arith.maximumf %add3A_136, %mul3A_139 : vector<16xf32>
        %sub3A = arith.subf %max3A, %get3A_4 : vector<16xf32>
        %exp3A = math.exp %sub3A : vector<16xf32>
        %get3A_140 = arith.index_cast %add3A_125 : i32 to index
        %get3A_141 = arith.constant 0 : index
        %get3A_142 = tpu.vector_load %arg13[%get3A_140, %get3A_141] {strides = array<i32>} : memref<128x128xf32, #tpu.memory_space<vmem>>, vector<1x16xf32>,
        %get3A_143 = vector.shape_cast %get3A_142 : vector<1x16xf32> to vector<16xf32>
        %mul3A_144 = arith.mulf %exp3A, %get3A_143 : vector<16xf32>
        %swap3A = arith.index_cast %add3A_125 : i32 to index
        %swap3A_145 = arith.constant 0 : index
        %swap3A_146 = tpu.vector_load %arg13[%swap3A, %swap3A_145] {strides = array<i32>} : memref<128x128xf32, #tpu.memory_space<vmem>>, vector<1x16xf32>,
        %swap3A_147 = vector.shape_cast %swap3A_146 : vector<1x16xf32> to vector<16xf32>
        %swap3A_148 = vector.shape_cast %mul3A_144 : vector<16xf32> to vector<1x16xf32>
        tpu.vector_store %arg13[%swap3A, %swap3A_145], %swap3A_148 {strides = array<i32>} : memref<128x128xf32, #tpu.memory_space<vmem>>, vector<1x16xf32>,
        %swap3A_149 = arith.index_cast %add3A_125 : i32 to index
        %swap3A_150 = arith.constant 64 : index
        %swap3A_151 = tpu.vector_load %arg13[%swap3A_149, %swap3A_150] {strides = array<i32>} : memref<128x128xf32, #tpu.memory_space<vmem>>, vector<1x16xf32>,
        %swap3A_152 = vector.shape_cast %swap3A_151 : vector<1x16xf32> to vector<16xf32>
        %swap3A_153 = vector.shape_cast %exp3A : vector<16xf32> to vector<1x16xf32>
        tpu.vector_store %arg13[%swap3A_149, %swap3A_150], %swap3A_153 {strides = array<i32>} : memref<128x128xf32, #tpu.memory_space<vmem>>, vector<1x16xf32>,
        %get3A_154 = arith.index_cast %add3A_125 : i32 to index
        %get3A_155 = arith.constant 80 : index
        %get3A_156 = tpu.vector_load %arg13[%get3A_154, %get3A_155] {strides = array<i32>} : memref<128x128xf32, #tpu.memory_space<vmem>>, vector<1x16xf32>,
        %get3A_157 = vector.shape_cast %get3A_156 : vector<1x16xf32> to vector<16xf32>
        %add3A_158 = arith.constant 64 : i32
        %add3A_159 = arith.addi %add3A_158, %add3A_125 : i32
        %get3A_160 = arith.index_cast %add3A_159 : i32 to index
        %get3A_161 = arith.constant 16 : index
        %get3A_162 = tpu.vector_load %arg13[%get3A_160, %get3A_161] {strides = array<i32>} : memref<128x128xf32, #tpu.memory_space<vmem>>, vector<1x16xf32>,
        %get3A_163 = vector.shape_cast %get3A_162 : vector<1x16xf32> to vector<16xf32>
        %add3A_164 = arith.addf %get3A_157, %get3A_163 : vector<16xf32>
        %mul3A_165 = arith.constant 2.000000e-01 : f32
        %mul3A_166 = vector.broadcast %mul3A_165 : f32 to vector<16xf32>
        %mul3A_167 = arith.mulf %add3A_164, %mul3A_166 : vector<16xf32>
        %max3A_168 = arith.maximumf %add3A_164, %mul3A_167 : vector<16xf32>
        %sub3A_169 = arith.subf %max3A_168, %get3A_7 : vector<16xf32>
        %exp3A_170 = math.exp %sub3A_169 : vector<16xf32>
        %get3A_171 = arith.index_cast %add3A_125 : i32 to index
        %get3A_172 = arith.constant 16 : index
        %get3A_173 = tpu.vector_load %arg13[%get3A_171, %get3A_172] {strides = array<i32>} : memref<128x128xf32, #tpu.memory_space<vmem>>, vector<1x16xf32>,
        %get3A_174 = vector.shape_cast %get3A_173 : vector<1x16xf32> to vector<16xf32>
        %mul3A_175 = arith.mulf %exp3A_170, %get3A_174 : vector<16xf32>
        %swap3A_176 = arith.index_cast %add3A_125 : i32 to index
        %swap3A_177 = arith.constant 16 : index
        %swap3A_178 = tpu.vector_load %arg13[%swap3A_176, %swap3A_177] {strides = array<i32>} : memref<128x128xf32, #tpu.memory_space<vmem>>, vector<1x16xf32>,
        %swap3A_179 = vector.shape_cast %swap3A_178 : vector<1x16xf32> to vector<16xf32>
        %swap3A_180 = vector.shape_cast %mul3A_175 : vector<16xf32> to vector<1x16xf32>
        tpu.vector_store %arg13[%swap3A_176, %swap3A_177], %swap3A_180 {strides = array<i32>} : memref<128x128xf32, #tpu.memory_space<vmem>>, vector<1x16xf32>,
        %swap3A_181 = arith.index_cast %add3A_125 : i32 to index
        %swap3A_182 = arith.constant 80 : index
        %swap3A_183 = tpu.vector_load %arg13[%swap3A_181, %swap3A_182] {strides = array<i32>} : memref<128x128xf32, #tpu.memory_space<vmem>>, vector<1x16xf32>,
        %swap3A_184 = vector.shape_cast %swap3A_183 : vector<1x16xf32> to vector<16xf32>
        %swap3A_185 = vector.shape_cast %exp3A_170 : vector<16xf32> to vector<1x16xf32>
        tpu.vector_store %arg13[%swap3A_181, %swap3A_182], %swap3A_185 {strides = array<i32>} : memref<128x128xf32, #tpu.memory_space<vmem>>, vector<1x16xf32>,
        %get3A_186 = arith.index_cast %add3A_125 : i32 to index
        %get3A_187 = arith.constant 96 : index
        %get3A_188 = tpu.vector_load %arg13[%get3A_186, %get3A_187] {strides = array<i32>} : memref<128x128xf32, #tpu.memory_space<vmem>>, vector<1x16xf32>,
        %get3A_189 = vector.shape_cast %get3A_188 : vector<1x16xf32> to vector<16xf32>
        %add3A_190 = arith.constant 64 : i32
        %add3A_191 = arith.addi %add3A_190, %add3A_125 : i32
        %get3A_192 = arith.index_cast %add3A_191 : i32 to index
        %get3A_193 = arith.constant 32 : index
        %get3A_194 = tpu.vector_load %arg13[%get3A_192, %get3A_193] {strides = array<i32>} : memref<128x128xf32, #tpu.memory_space<vmem>>, vector<1x16xf32>,
        %get3A_195 = vector.shape_cast %get3A_194 : vector<1x16xf32> to vector<16xf32>
        %add3A_196 = arith.addf %get3A_189, %get3A_195 : vector<16xf32>
        %mul3A_197 = arith.constant 2.000000e-01 : f32
        %mul3A_198 = vector.broadcast %mul3A_197 : f32 to vector<16xf32>
        %mul3A_199 = arith.mulf %add3A_196, %mul3A_198 : vector<16xf32>
        %max3A_200 = arith.maximumf %add3A_196, %mul3A_199 : vector<16xf32>
        %sub3A_201 = arith.subf %max3A_200, %get3A_10 : vector<16xf32>
        %exp3A_202 = math.exp %sub3A_201 : vector<16xf32>
        %get3A_203 = arith.index_cast %add3A_125 : i32 to index
        %get3A_204 = arith.constant 32 : index
        %get3A_205 = tpu.vector_load %arg13[%get3A_203, %get3A_204] {strides = array<i32>} : memref<128x128xf32, #tpu.memory_space<vmem>>, vector<1x16xf32>,
        %get3A_206 = vector.shape_cast %get3A_205 : vector<1x16xf32> to vector<16xf32>
        %mul3A_207 = arith.mulf %exp3A_202, %get3A_206 : vector<16xf32>
        %swap3A_208 = arith.index_cast %add3A_125 : i32 to index
        %swap3A_209 = arith.constant 32 : index
        %swap3A_210 = tpu.vector_load %arg13[%swap3A_208, %swap3A_209] {strides = array<i32>} : memref<128x128xf32, #tpu.memory_space<vmem>>, vector<1x16xf32>,
        %swap3A_211 = vector.shape_cast %swap3A_210 : vector<1x16xf32> to vector<16xf32>
        %swap3A_212 = vector.shape_cast %mul3A_207 : vector<16xf32> to vector<1x16xf32>
        tpu.vector_store %arg13[%swap3A_208, %swap3A_209], %swap3A_212 {strides = array<i32>} : memref<128x128xf32, #tpu.memory_space<vmem>>, vector<1x16xf32>,
        %swap3A_213 = arith.index_cast %add3A_125 : i32 to index
        %swap3A_214 = arith.constant 96 : index
        %swap3A_215 = tpu.vector_load %arg13[%swap3A_213, %swap3A_214] {strides = array<i32>} : memref<128x128xf32, #tpu.memory_space<vmem>>, vector<1x16xf32>,
        %swap3A_216 = vector.shape_cast %swap3A_215 : vector<1x16xf32> to vector<16xf32>
        %swap3A_217 = vector.shape_cast %exp3A_202 : vector<16xf32> to vector<1x16xf32>
        tpu.vector_store %arg13[%swap3A_213, %swap3A_214], %swap3A_217 {strides = array<i32>} : memref<128x128xf32, #tpu.memory_space<vmem>>, vector<1x16xf32>,
        %get3A_218 = arith.index_cast %add3A_125 : i32 to index
        %get3A_219 = arith.constant 112 : index
        %get3A_220 = tpu.vector_load %arg13[%get3A_218, %get3A_219] {strides = array<i32>} : memref<128x128xf32, #tpu.memory_space<vmem>>, vector<1x16xf32>,
        %get3A_221 = vector.shape_cast %get3A_220 : vector<1x16xf32> to vector<16xf32>
        %add3A_222 = arith.constant 64 : i32
        %add3A_223 = arith.addi %add3A_222, %add3A_125 : i32
        %get3A_224 = arith.index_cast %add3A_223 : i32 to index
        %get3A_225 = arith.constant 48 : index
        %get3A_226 = tpu.vector_load %arg13[%get3A_224, %get3A_225] {strides = array<i32>} : memref<128x128xf32, #tpu.memory_space<vmem>>, vector<1x16xf32>,
        %get3A_227 = vector.shape_cast %get3A_226 : vector<1x16xf32> to vector<16xf32>
        %add3A_228 = arith.addf %get3A_221, %get3A_227 : vector<16xf32>
        %mul3A_229 = arith.constant 2.000000e-01 : f32
        %mul3A_230 = vector.broadcast %mul3A_229 : f32 to vector<16xf32>
        %mul3A_231 = arith.mulf %add3A_228, %mul3A_230 : vector<16xf32>
        %max3A_232 = arith.maximumf %add3A_228, %mul3A_231 : vector<16xf32>
        %sub3A_233 = arith.subf %max3A_232, %get3A_13 : vector<16xf32>
        %exp3A_234 = math.exp %sub3A_233 : vector<16xf32>
        %get3A_235 = arith.index_cast %add3A_125 : i32 to index
        %get3A_236 = arith.constant 48 : index
        %get3A_237 = tpu.vector_load %arg13[%get3A_235, %get3A_236] {strides = array<i32>} : memref<128x128xf32, #tpu.memory_space<vmem>>, vector<1x16xf32>,
        %get3A_238 = vector.shape_cast %get3A_237 : vector<1x16xf32> to vector<16xf32>
        %mul3A_239 = arith.mulf %exp3A_234, %get3A_238 : vector<16xf32>
        %swap3A_240 = arith.index_cast %add3A_125 : i32 to index
        %swap3A_241 = arith.constant 48 : index
        %swap3A_242 = tpu.vector_load %arg13[%swap3A_240, %swap3A_241] {strides = array<i32>} : memref<128x128xf32, #tpu.memory_space<vmem>>, vector<1x16xf32>,
        %swap3A_243 = vector.shape_cast %swap3A_242 : vector<1x16xf32> to vector<16xf32>
        %swap3A_244 = vector.shape_cast %mul3A_239 : vector<16xf32> to vector<1x16xf32>
        tpu.vector_store %arg13[%swap3A_240, %swap3A_241], %swap3A_244 {strides = array<i32>} : memref<128x128xf32, #tpu.memory_space<vmem>>, vector<1x16xf32>,
        %swap3A_245 = arith.index_cast %add3A_125 : i32 to index
        %swap3A_246 = arith.constant 112 : index
        %swap3A_247 = tpu.vector_load %arg13[%swap3A_245, %swap3A_246] {strides = array<i32>} : memref<128x128xf32, #tpu.memory_space<vmem>>, vector<1x16xf32>,
        %swap3A_248 = vector.shape_cast %swap3A_247 : vector<1x16xf32> to vector<16xf32>
        %swap3A_249 = vector.shape_cast %exp3A_234 : vector<16xf32> to vector<1x16xf32>
        tpu.vector_store %arg13[%swap3A_245, %swap3A_246], %swap3A_249 {strides = array<i32>} : memref<128x128xf32, #tpu.memory_space<vmem>>, vector<1x16xf32>,
      }
      %scan3A_114 = arith.constant 64 : i32
      %dma_start3A_115 = arith.constant 0 : i32
      %dma_start3A_116 = arith.constant 0 : i32
      %dma_start3A_117 = tpu.memref_slice %arg13[%dma_start3A_115, %dma_start3A_116] : memref<128x128xf32, #tpu.memory_space<vmem>> -> memref<64x128xf32, #tpu.memory_space<vmem>>
      %dma_start3A_118 = arith.constant 0 : i32
      %dma_start3A_119 = arith.constant 0 : i32
      %dma_start3A_120 = tpu.memref_slice %arg15[%dma_start3A_118, %dma_start3A_119] : memref<10112x128xf32, #tpu.memory_space<vmem_shared>> -> memref<10112x128xf32, #tpu.memory_space<vmem_shared>>
      tpu.enqueue_indirect_dma source(%dma_start3A_117 : memref<64x128xf32, #tpu.memory_space<vmem>>) target(%dma_start3A_120 : memref<10112x128xf32, #tpu.memory_space<vmem_shared>>) offsets(%arg11 : memref<64xi32, #tpu.memory_space<vmem>>) semaphore(%arg19 : memref<!tpu.dma_semaphore, #tpu.memory_space<semaphore_mem>>) {add = true}
    }
    %scan3A_29 = arith.constant 81 : i32
    %dma_wait3A = arith.constant 0 : i32
    %dma_wait3A_30 = arith.constant 0 : i32
    %dma_wait3A_31 = tpu.memref_slice %arg15[%dma_wait3A, %dma_wait3A_30] : memref<10112x128xf32, #tpu.memory_space<vmem_shared>> -> memref<64x128xf32, #tpu.memory_space<vmem_shared>>
    %dma_wait3A_32 = arith.constant 0 : i32
    %dma_wait3A_33 = arith.constant 0 : i32
    %dma_wait3A_34 = tpu.memref_slice %arg4[%dma_wait3A_32, %dma_wait3A_33] : memref<20224x128xf32, #tpu.memory_space<hbm>> -> memref<64x128xf32, #tpu.memory_space<hbm>>
    tpu.wait_dma2 semaphore(%arg19 : memref<!tpu.dma_semaphore, #tpu.memory_space<semaphore_mem>>) src(%dma_wait3A_34 : memref<64x128xf32, #tpu.memory_space<hbm>>) dst(%dma_wait3A_31 : memref<64x128xf32, #tpu.memory_space<vmem_shared>>)
    %dma_wait3A_35 = arith.constant 0 : i32
    %dma_wait3A_36 = arith.constant 0 : i32
    %dma_wait3A_37 = tpu.memref_slice %arg4[%dma_wait3A_35, %dma_wait3A_36] : memref<20224x128xf32, #tpu.memory_space<hbm>> -> memref<128x128xf32, #tpu.memory_space<hbm>>
    %dma_wait3A_38 = arith.constant 0 : i32
    %dma_wait3A_39 = arith.constant 0 : i32
    %dma_wait3A_40 = tpu.memref_slice %arg4[%dma_wait3A_38, %dma_wait3A_39] : memref<20224x128xf32, #tpu.memory_space<hbm>> -> memref<128x128xf32, #tpu.memory_space<hbm>>
    tpu.wait_dma2 semaphore(%arg16 : memref<!tpu.dma_semaphore, #tpu.memory_space<semaphore_mem>>) src(%dma_wait3A_40 : memref<128x128xf32, #tpu.memory_space<hbm>>) dst(%arg12 : memref<128x128xf32, #tpu.memory_space<vmem>>)
    %barrier3A_41 = arith.constant 0 : index
    tpu.barrier barrier_id(%barrier3A_41)
    "tpu.region"() ({
      %run_scoped3A = tpu.sem_alloc : memref<!tpu.dma_semaphore, #tpu.memory_space<semaphore_mem>>
      %dma_start3A_42 = arith.constant 0 : i32
      %dma_start3A_43 = tpu.memref_slice %arg7[%arg0, %mul3A_2, %dma_start3A_42] : memref<2x10112x128xf32, #tpu.memory_space<hbm>> -> memref<1x632x128xf32, #tpu.memory_space<hbm>>
      %dma_start3A_44 = tpu.memref_squeeze %dma_start3A_43 : memref<1x632x128xf32, #tpu.memory_space<hbm>> -> memref<632x128xf32, #tpu.memory_space<hbm>>
      %dma_start3A_45 = arith.constant 0 : i32
      %dma_start3A_46 = tpu.memref_slice %arg15[%mul3A_2, %dma_start3A_45] : memref<10112x128xf32, #tpu.memory_space<vmem_shared>> -> memref<632x128xf32, #tpu.memory_space<vmem_shared>>
      tpu.enqueue_dma source(%dma_start3A_46 : memref<632x128xf32, #tpu.memory_space<vmem_shared>>) target(%dma_start3A_44 : memref<632x128xf32, #tpu.memory_space<hbm>>) target_semaphore(%run_scoped3A : memref<!tpu.dma_semaphore, #tpu.memory_space<semaphore_mem>>)
      %dma_wait3A_47 = arith.constant 0 : i32
      %dma_wait3A_48 = tpu.memref_slice %arg7[%arg0, %mul3A_2, %dma_wait3A_47] : memref<2x10112x128xf32, #tpu.memory_space<hbm>> -> memref<1x632x128xf32, #tpu.memory_space<hbm>>
      %dma_wait3A_49 = tpu.memref_squeeze %dma_wait3A_48 : memref<1x632x128xf32, #tpu.memory_space<hbm>> -> memref<632x128xf32, #tpu.memory_space<hbm>>
      %dma_wait3A_50 = arith.constant 0 : i32
      %dma_wait3A_51 = tpu.memref_slice %arg15[%mul3A_2, %dma_wait3A_50] : memref<10112x128xf32, #tpu.memory_space<vmem_shared>> -> memref<632x128xf32, #tpu.memory_space<vmem_shared>>
      tpu.wait_dma2 semaphore(%run_scoped3A : memref<!tpu.dma_semaphore, #tpu.memory_space<semaphore_mem>>) src(%dma_wait3A_51 : memref<632x128xf32, #tpu.memory_space<vmem_shared>>) dst(%dma_wait3A_49 : memref<632x128xf32, #tpu.memory_space<hbm>>)
      tpu.yield
    }) : () -> ()
    return
  }
}

module attributes {stable_mosaic.version = 14 : i64} {
  func.func @_prep1_body(%arg0: i32, %arg1: memref<128x128xf32, #tpu.memory_space<vmem>>, %arg2: memref<128x64xf32, #tpu.memory_space<vmem>>, %arg3: memref<64x64xf32, #tpu.memory_space<vmem>>, %arg4: memref<64x64xf32, #tpu.memory_space<vmem>>, %arg5: memref<2x128x128xf32, #tpu.memory_space<vmem>>) attributes {dimension_semantics = [#tpu.dimension_semantics<arbitrary>], iteration_bounds = array<i64: 79>, scalar_prefetch = 0 : i64, scratch_operands = 0 : i64, tpu.core_type = #tpu.core_type<tc>, window_params = [{transform_indices = @transform_0, window_bounds = array<i64: 128, 128>}, {pipeline_mode = #tpu.pipeline_mode<synchronous>, transform_indices = @transform_1, window_bounds = array<i64: 128, 64>}, {pipeline_mode = #tpu.pipeline_mode<synchronous>, transform_indices = @transform_2, window_bounds = array<i64: 64, 64>}, {pipeline_mode = #tpu.pipeline_mode<synchronous>, transform_indices = @transform_3, window_bounds = array<i64: 64, 64>}, {transform_indices = @transform_4, window_bounds = array<i64: 2, 128, 128>}]} {
    %get3A = arith.constant 0 : index
    %get3A_0 = arith.constant 0 : index
    %get3A_1 = vector.load %arg1[%get3A, %get3A_0] : memref<128x128xf32, #tpu.memory_space<vmem>>, vector<128x128xf32>
    %get3A_2 = arith.constant 0 : index
    %get3A_3 = arith.constant 0 : index
    %get3A_4 = vector.load %arg2[%get3A_2, %get3A_3] : memref<128x64xf32, #tpu.memory_space<vmem>>, vector<128x64xf32>
    %dot_general3A = arith.constant dense<0.000000e+00> : vector<128x64xf32>
    %dot_general3A_5 = tpu.matmul %get3A_1, %get3A_4, %dot_general3A {dimension_numbers = #tpu.dot_dimension_numbers<[1], [0], [0], [1], [0, 0, 1, 1], [], []>, transpose_lhs_hint = false} : vector<128x128xf32>, vector<128x64xf32>, vector<128x64xf32> -> vector<128x64xf32>
    %get3A_6 = arith.constant 0 : index
    %get3A_7 = arith.constant 0 : index
    %get3A_8 = vector.load %arg3[%get3A_6, %get3A_7] : memref<64x64xf32, #tpu.memory_space<vmem>>, vector<64x64xf32>
    %dot_general3A_9 = arith.constant dense<0.000000e+00> : vector<128x64xf32>
    %dot_general3A_10 = tpu.matmul %dot_general3A_5, %get3A_8, %dot_general3A_9 {dimension_numbers = #tpu.dot_dimension_numbers<[1], [0], [0], [1], [0, 0, 1, 1], [], []>, transpose_lhs_hint = false} : vector<128x64xf32>, vector<64x64xf32>, vector<128x64xf32> -> vector<128x64xf32>
    %get3A_11 = arith.constant 0 : index
    %get3A_12 = arith.constant 0 : index
    %get3A_13 = vector.load %arg4[%get3A_11, %get3A_12] : memref<64x64xf32, #tpu.memory_space<vmem>>, vector<64x64xf32>
    %dot_general3A_14 = arith.constant dense<0.000000e+00> : vector<128x64xf32>
    %dot_general3A_15 = tpu.matmul %dot_general3A_5, %get3A_13, %dot_general3A_14 {dimension_numbers = #tpu.dot_dimension_numbers<[1], [0], [0], [1], [0, 0, 1, 1], [], []>, transpose_lhs_hint = false} : vector<128x64xf32>, vector<64x64xf32>, vector<128x64xf32> -> vector<128x64xf32>
    %concatenate3A = tpu.concatenate %dot_general3A_5, %dot_general3A_10 in 1 : vector<128x64xf32>, vector<128x64xf32> -> vector<128x128xf32>
    %swap3A = arith.constant 0 : index
    %swap3A_16 = arith.constant 0 : index
    %swap3A_17 = arith.constant 0 : index
    %swap3A_18 = vector.load %arg5[%swap3A, %swap3A_16, %swap3A_17] : memref<2x128x128xf32, #tpu.memory_space<vmem>>, vector<1x128x128xf32>
    %swap3A_19 = vector.shape_cast %swap3A_18 : vector<1x128x128xf32> to vector<128x128xf32>
    %swap3A_20 = vector.shape_cast %concatenate3A : vector<128x128xf32> to vector<1x128x128xf32>
    tpu.vector_store %arg5[%swap3A, %swap3A_16, %swap3A_17], %swap3A_20 {strides = array<i32>} : memref<2x128x128xf32, #tpu.memory_space<vmem>>, vector<1x128x128xf32>,
    %concatenate3A_21 = tpu.concatenate %dot_general3A_15, %dot_general3A_15 in 1 : vector<128x64xf32>, vector<128x64xf32> -> vector<128x128xf32>
    %swap3A_22 = arith.constant 1 : index
    %swap3A_23 = arith.constant 0 : index
    %swap3A_24 = arith.constant 0 : index
    %swap3A_25 = vector.load %arg5[%swap3A_22, %swap3A_23, %swap3A_24] : memref<2x128x128xf32, #tpu.memory_space<vmem>>, vector<1x128x128xf32>
    %swap3A_26 = vector.shape_cast %swap3A_25 : vector<1x128x128xf32> to vector<128x128xf32>
    %swap3A_27 = vector.shape_cast %concatenate3A_21 : vector<128x128xf32> to vector<1x128x128xf32>
    tpu.vector_store %arg5[%swap3A_22, %swap3A_23, %swap3A_24], %swap3A_27 {strides = array<i32>} : memref<2x128x128xf32, #tpu.memory_space<vmem>>, vector<1x128x128xf32>,
    return
  }
  func.func @transform_0(%arg0: i32) -> (i32, i32) {
    %c0_i32 = arith.constant 0 : i32
    %c0_i32_0 = arith.constant 0 : i32
    return %arg0, %c0_i32 : i32, i32
  }
  func.func @transform_1(%arg0: i32) -> (i32, i32) {
    %c0_i32 = arith.constant 0 : i32
    %c0_i32_0 = arith.constant 0 : i32
    %c0_i32_1 = arith.constant 0 : i32
    return %c0_i32, %c0_i32_0 : i32, i32
  }
  func.func @transform_2(%arg0: i32) -> (i32, i32) {
    %c0_i32 = arith.constant 0 : i32
    %c0_i32_0 = arith.constant 0 : i32
    %c0_i32_1 = arith.constant 0 : i32
    return %c0_i32, %c0_i32_0 : i32, i32
  }
  func.func @transform_3(%arg0: i32) -> (i32, i32) {
    %c0_i32 = arith.constant 0 : i32
    %c0_i32_0 = arith.constant 0 : i32
    %c0_i32_1 = arith.constant 0 : i32
    return %c0_i32, %c0_i32_0 : i32, i32
  }
  func.func @transform_4(%arg0: i32) -> (i32, i32, i32) {
    %c0_i32 = arith.constant 0 : i32
    %c0_i32_0 = arith.constant 0 : i32
    %c0_i32_1 = arith.constant 0 : i32
    return %c0_i32, %arg0, %c0_i32_0 : i32, i32, i32
  }
}

module attributes {stable_mosaic.version = 14 : i64} {
  func.func @_mid_body(%arg0: i32, %arg1: memref<2x128x128xf32, #tpu.memory_space<vmem>>, %arg2: memref<1x64xf32, #tpu.memory_space<vmem>>, %arg3: memref<64x64xf32, #tpu.memory_space<vmem>>, %arg4: memref<64x64xf32, #tpu.memory_space<vmem>>, %arg5: memref<64x64xf32, #tpu.memory_space<vmem>>, %arg6: memref<2x128x128xf32, #tpu.memory_space<vmem>>) attributes {dimension_semantics = [#tpu.dimension_semantics<arbitrary>], iteration_bounds = array<i64: 79>, scalar_prefetch = 0 : i64, scratch_operands = 0 : i64, tpu.core_type = #tpu.core_type<tc>, window_params = [{transform_indices = @transform_0, window_bounds = array<i64: 2, 128, 128>}, {pipeline_mode = #tpu.pipeline_mode<synchronous>, transform_indices = @transform_1, window_bounds = array<i64: 1, 64>}, {pipeline_mode = #tpu.pipeline_mode<synchronous>, transform_indices = @transform_2, window_bounds = array<i64: 64, 64>}, {pipeline_mode = #tpu.pipeline_mode<synchronous>, transform_indices = @transform_3, window_bounds = array<i64: 64, 64>}, {pipeline_mode = #tpu.pipeline_mode<synchronous>, transform_indices = @transform_4, window_bounds = array<i64: 64, 64>}, {transform_indices = @transform_5, window_bounds = array<i64: 2, 128, 128>}]} {
    %get3A = arith.constant 0 : index
    %get3A_0 = arith.constant 0 : index
    %get3A_1 = arith.constant 0 : index
    %get3A_2 = vector.load %arg1[%get3A, %get3A_0, %get3A_1] : memref<2x128x128xf32, #tpu.memory_space<vmem>>, vector<1x128x128xf32>
    %get3A_3 = vector.shape_cast %get3A_2 : vector<1x128x128xf32> to vector<128x128xf32>
    %get3A_4 = arith.constant 1 : index
    %get3A_5 = arith.constant 0 : index
    %get3A_6 = arith.constant 0 : index
    %get3A_7 = vector.load %arg1[%get3A_4, %get3A_5, %get3A_6] : memref<2x128x128xf32, #tpu.memory_space<vmem>>, vector<1x128x128xf32>
    %get3A_8 = vector.shape_cast %get3A_7 : vector<1x128x128xf32> to vector<128x128xf32>
    %add3A = arith.addf %get3A_3, %get3A_8 : vector<128x128xf32>
    %slice3A = vector.extract_strided_slice %add3A {offsets = [0, 0], sizes = [128, 64], strides = [1, 1]} : vector<128x128xf32> to vector<128x64xf32>
    %slice3A_9 = vector.extract_strided_slice %add3A {offsets = [0, 64], sizes = [128, 64], strides = [1, 1]} : vector<128x128xf32> to vector<128x64xf32>
    %add3A_10 = arith.constant 1.000000e-16 : f32
    %add3A_11 = vector.broadcast %add3A_10 : f32 to vector<128x64xf32>
    %add3A_12 = arith.addf %slice3A_9, %add3A_11 : vector<128x64xf32>
    %div3A = arith.divf %slice3A, %add3A_12 : vector<128x64xf32>
    %get3A_13 = arith.constant 0 : index
    %get3A_14 = arith.constant 0 : index
    %get3A_15 = vector.load %arg2[%get3A_13, %get3A_14] : memref<1x64xf32, #tpu.memory_space<vmem>>, vector<1x64xf32>
    %add3A_16 = vector.broadcast %get3A_15 : vector<1x64xf32> to vector<128x64xf32>
    %add3A_17 = arith.addf %div3A, %add3A_16 : vector<128x64xf32>
    %gt3A = arith.constant 0.000000e+00 : f32
    %gt3A_18 = vector.broadcast %gt3A : f32 to vector<128x64xf32>
    %gt3A_19 = arith.cmpf ogt, %add3A_17, %gt3A_18 : vector<128x64xf32>
    %min3A = arith.constant 0.000000e+00 : f32
    %min3A_20 = vector.broadcast %min3A : f32 to vector<128x64xf32>
    %min3A_21 = arith.minimumf %add3A_17, %min3A_20 : vector<128x64xf32>
    %exp3A = math.exp %min3A_21 : vector<128x64xf32>
    %sub3A = arith.constant 1.000000e+00 : f32
    %sub3A_22 = vector.broadcast %sub3A : f32 to vector<128x64xf32>
    %sub3A_23 = arith.subf %exp3A, %sub3A_22 : vector<128x64xf32>
    %select_n3A = arith.select %gt3A_19, %add3A_17, %sub3A_23 : vector<128x64xi1>, vector<128x64xf32>
    %get3A_24 = arith.constant 0 : index
    %get3A_25 = arith.constant 0 : index
    %get3A_26 = vector.load %arg3[%get3A_24, %get3A_25] : memref<64x64xf32, #tpu.memory_space<vmem>>, vector<64x64xf32>
    %dot_general3A = arith.constant dense<0.000000e+00> : vector<128x64xf32>
    %dot_general3A_27 = tpu.matmul %select_n3A, %get3A_26, %dot_general3A {dimension_numbers = #tpu.dot_dimension_numbers<[1], [0], [0], [1], [0, 0, 1, 1], [], []>, transpose_lhs_hint = false} : vector<128x64xf32>, vector<64x64xf32>, vector<128x64xf32> -> vector<128x64xf32>
    %get3A_28 = arith.constant 0 : index
    %get3A_29 = arith.constant 0 : index
    %get3A_30 = vector.load %arg4[%get3A_28, %get3A_29] : memref<64x64xf32, #tpu.memory_space<vmem>>, vector<64x64xf32>
    %dot_general3A_31 = arith.constant dense<0.000000e+00> : vector<128x64xf32>
    %dot_general3A_32 = tpu.matmul %dot_general3A_27, %get3A_30, %dot_general3A_31 {dimension_numbers = #tpu.dot_dimension_numbers<[1], [0], [0], [1], [0, 0, 1, 1], [], []>, transpose_lhs_hint = false} : vector<128x64xf32>, vector<64x64xf32>, vector<128x64xf32> -> vector<128x64xf32>
    %get3A_33 = arith.constant 0 : index
    %get3A_34 = arith.constant 0 : index
    %get3A_35 = vector.load %arg5[%get3A_33, %get3A_34] : memref<64x64xf32, #tpu.memory_space<vmem>>, vector<64x64xf32>
    %dot_general3A_36 = arith.constant dense<0.000000e+00> : vector<128x64xf32>
    %dot_general3A_37 = tpu.matmul %dot_general3A_27, %get3A_35, %dot_general3A_36 {dimension_numbers = #tpu.dot_dimension_numbers<[1], [0], [0], [1], [0, 0, 1, 1], [], []>, transpose_lhs_hint = false} : vector<128x64xf32>, vector<64x64xf32>, vector<128x64xf32> -> vector<128x64xf32>
    %concatenate3A = tpu.concatenate %dot_general3A_27, %dot_general3A_32 in 1 : vector<128x64xf32>, vector<128x64xf32> -> vector<128x128xf32>
    %swap3A = arith.constant 0 : index
    %swap3A_38 = arith.constant 0 : index
    %swap3A_39 = arith.constant 0 : index
    %swap3A_40 = vector.load %arg6[%swap3A, %swap3A_38, %swap3A_39] : memref<2x128x128xf32, #tpu.memory_space<vmem>>, vector<1x128x128xf32>
    %swap3A_41 = vector.shape_cast %swap3A_40 : vector<1x128x128xf32> to vector<128x128xf32>
    %swap3A_42 = vector.shape_cast %concatenate3A : vector<128x128xf32> to vector<1x128x128xf32>
    tpu.vector_store %arg6[%swap3A, %swap3A_38, %swap3A_39], %swap3A_42 {strides = array<i32>} : memref<2x128x128xf32, #tpu.memory_space<vmem>>, vector<1x128x128xf32>,
    %concatenate3A_43 = tpu.concatenate %dot_general3A_37, %dot_general3A_37 in 1 : vector<128x64xf32>, vector<128x64xf32> -> vector<128x128xf32>
    %swap3A_44 = arith.constant 1 : index
    %swap3A_45 = arith.constant 0 : index
    %swap3A_46 = arith.constant 0 : index
    %swap3A_47 = vector.load %arg6[%swap3A_44, %swap3A_45, %swap3A_46] : memref<2x128x128xf32, #tpu.memory_space<vmem>>, vector<1x128x128xf32>
    %swap3A_48 = vector.shape_cast %swap3A_47 : vector<1x128x128xf32> to vector<128x128xf32>
    %swap3A_49 = vector.shape_cast %concatenate3A_43 : vector<128x128xf32> to vector<1x128x128xf32>
    tpu.vector_store %arg6[%swap3A_44, %swap3A_45, %swap3A_46], %swap3A_49 {strides = array<i32>} : memref<2x128x128xf32, #tpu.memory_space<vmem>>, vector<1x128x128xf32>,
    return
  }
  func.func @transform_0(%arg0: i32) -> (i32, i32, i32) {
    %c0_i32 = arith.constant 0 : i32
    %c0_i32_0 = arith.constant 0 : i32
    %c0_i32_1 = arith.constant 0 : i32
    return %c0_i32, %arg0, %c0_i32_0 : i32, i32, i32
  }
  func.func @transform_1(%arg0: i32) -> (i32, i32) {
    %c0_i32 = arith.constant 0 : i32
    %c0_i32_0 = arith.constant 0 : i32
    %c0_i32_1 = arith.constant 0 : i32
    return %c0_i32, %c0_i32_0 : i32, i32
  }
  func.func @transform_2(%arg0: i32) -> (i32, i32) {
    %c0_i32 = arith.constant 0 : i32
    %c0_i32_0 = arith.constant 0 : i32
    %c0_i32_1 = arith.constant 0 : i32
    return %c0_i32, %c0_i32_0 : i32, i32
  }
  func.func @transform_3(%arg0: i32) -> (i32, i32) {
    %c0_i32 = arith.constant 0 : i32
    %c0_i32_0 = arith.constant 0 : i32
    %c0_i32_1 = arith.constant 0 : i32
    return %c0_i32, %c0_i32_0 : i32, i32
  }
  func.func @transform_4(%arg0: i32) -> (i32, i32) {
    %c0_i32 = arith.constant 0 : i32
    %c0_i32_0 = arith.constant 0 : i32
    %c0_i32_1 = arith.constant 0 : i32
    return %c0_i32, %c0_i32_0 : i32, i32
  }
  func.func @transform_5(%arg0: i32) -> (i32, i32, i32) {
    %c0_i32 = arith.constant 0 : i32
    %c0_i32_0 = arith.constant 0 : i32
    %c0_i32_1 = arith.constant 0 : i32
    return %c0_i32, %arg0, %c0_i32_0 : i32, i32, i32
  }
}

module attributes {stable_mosaic.version = 14 : i64} {
  func.func @_final_body(%arg0: i32, %arg1: memref<2x128x128xf32, #tpu.memory_space<vmem>>, %arg2: memref<1x64xf32, #tpu.memory_space<vmem>>, %arg3: memref<128x64xf32, #tpu.memory_space<vmem>>) attributes {dimension_semantics = [#tpu.dimension_semantics<arbitrary>], iteration_bounds = array<i64: 79>, scalar_prefetch = 0 : i64, scratch_operands = 0 : i64, tpu.core_type = #tpu.core_type<tc>, window_params = [{transform_indices = @transform_0, window_bounds = array<i64: 2, 128, 128>}, {pipeline_mode = #tpu.pipeline_mode<synchronous>, transform_indices = @transform_1, window_bounds = array<i64: 1, 64>}, {transform_indices = @transform_2, window_bounds = array<i64: 128, 64>}]} {
    %get3A = arith.constant 0 : index
    %get3A_0 = arith.constant 0 : index
    %get3A_1 = arith.constant 0 : index
    %get3A_2 = vector.load %arg1[%get3A, %get3A_0, %get3A_1] : memref<2x128x128xf32, #tpu.memory_space<vmem>>, vector<1x128x128xf32>
    %get3A_3 = vector.shape_cast %get3A_2 : vector<1x128x128xf32> to vector<128x128xf32>
    %get3A_4 = arith.constant 1 : index
    %get3A_5 = arith.constant 0 : index
    %get3A_6 = arith.constant 0 : index
    %get3A_7 = vector.load %arg1[%get3A_4, %get3A_5, %get3A_6] : memref<2x128x128xf32, #tpu.memory_space<vmem>>, vector<1x128x128xf32>
    %get3A_8 = vector.shape_cast %get3A_7 : vector<1x128x128xf32> to vector<128x128xf32>
    %add3A = arith.addf %get3A_3, %get3A_8 : vector<128x128xf32>
    %slice3A = vector.extract_strided_slice %add3A {offsets = [0, 0], sizes = [128, 64], strides = [1, 1]} : vector<128x128xf32> to vector<128x64xf32>
    %slice3A_9 = vector.extract_strided_slice %add3A {offsets = [0, 64], sizes = [128, 64], strides = [1, 1]} : vector<128x128xf32> to vector<128x64xf32>
    %add3A_10 = arith.constant 1.000000e-16 : f32
    %add3A_11 = vector.broadcast %add3A_10 : f32 to vector<128x64xf32>
    %add3A_12 = arith.addf %slice3A_9, %add3A_11 : vector<128x64xf32>
    %div3A = arith.divf %slice3A, %add3A_12 : vector<128x64xf32>
    %get3A_13 = arith.constant 0 : index
    %get3A_14 = arith.constant 0 : index
    %get3A_15 = vector.load %arg2[%get3A_13, %get3A_14] : memref<1x64xf32, #tpu.memory_space<vmem>>, vector<1x64xf32>
    %add3A_16 = vector.broadcast %get3A_15 : vector<1x64xf32> to vector<128x64xf32>
    %add3A_17 = arith.addf %div3A, %add3A_16 : vector<128x64xf32>
    %swap3A = arith.constant 0 : index
    %swap3A_18 = arith.constant 0 : index
    %swap3A_19 = vector.load %arg3[%swap3A, %swap3A_18] : memref<128x64xf32, #tpu.memory_space<vmem>>, vector<128x64xf32>
    tpu.vector_store %arg3[%swap3A, %swap3A_18], %add3A_17 {strides = array<i32>} : memref<128x64xf32, #tpu.memory_space<vmem>>, vector<128x64xf32>,
    return
  }
  func.func @transform_0(%arg0: i32) -> (i32, i32, i32) {
    %c0_i32 = arith.constant 0 : i32
    %c0_i32_0 = arith.constant 0 : i32
    %c0_i32_1 = arith.constant 0 : i32
    return %c0_i32, %arg0, %c0_i32_0 : i32, i32, i32
  }
  func.func @transform_1(%arg0: i32) -> (i32, i32) {
    %c0_i32 = arith.constant 0 : i32
    %c0_i32_0 = arith.constant 0 : i32
    %c0_i32_1 = arith.constant 0 : i32
    return %c0_i32, %c0_i32_0 : i32, i32
  }
  func.func @transform_2(%arg0: i32) -> (i32, i32) {
    %c0_i32 = arith.constant 0 : i32
    %c0_i32_0 = arith.constant 0 : i32
    return %arg0, %c0_i32 : i32, i32
  }
}

</mosaic_0001>

<sc_bundles>
// kernel: kernel.10.cloned.1.call-start
scs
__scs_entry_jumppad:
0x0: {  	(pc) =	sbr.rel $0x88, $3  }
0x1: {  	(tag) =	ssettag $0x0;
	lr =	simm.s32 $0x1  }
0x2: {  	[smem:$0x3F97] =	sst lr;
	_ =	strace $0xD0000000  }
0x3: {  	_ = 	snop  }
0x4: {  	_ = 	snop  }
0x5: {  	_ = 	snop  }
0x6: {  	_ = 	snop  }
0x7: {  	_ = 	snop  }
__scs_overlays_trampoline_lowered:
0x8: {  	[smem:$0x3FA6] =	sst s0  }
0x9: {  	[smem:$0x3FA7] =	sst s1  }
0xa: {  	[smem:$0x3FA8] =	sst s2  }
0xb: {  	[smem:$0x3FA9] =	sst s3  }
0xc: {  	[smem:$0x3FAA] =	sst s4  }
0xd: {  	[smem:$0x3FAB] =	sst s5  }
0xe: {  	[smem:$0x3FAC] =	sst s6  }
0xf: {  	[smem:$0x3FAD] =	sst s7  }
0x10: {  	[smem:$0x3FAE] =	sst s8  }
0x11: {  	[smem:$0x3FAF] =	sst s9;
	s0 =	simm.s32 @!p0 $0x0  }
0x12: {  	s1 =	sld [smem:$0x3F95];
	s0 =	simm.s32 @p0 $0x1  }
0x13: {  	[smem:$0x3FB0] =	sst s0;
	s0 =	simm.s32 @!p1 $0x0  }
0x14: {  	s2 =	sld [smem:$0x3F94];
	s0 =	simm.s32 @p1 $0x1  }
0x15: {  	[smem:$0x3FB1] =	sst s0;
	s0 =	simm.s32 @!p2 $0x0  }
0x16: {  	s3 =	sld [smem:$0x3FDB];
	s0 =	simm.s32 @p2 $0x1  }
0x17: {  	s4 =	simm.s32 $0x1BF5;
	[smem:$0x3FB3] =	sst s0  }
0x18: {  	s0 =	sld [smem:$0x3F96];
	_ =	swait.ge [sflag:s4], $0x0  }
0x19: {  	s7 =	sld [smem:$0x3F97]  }
0x1a: {  	s8 =	sadd.s32 $0xFFFFE003, lr  }
0x1b: {  	s9 =	sadd.s32 $0xFFFFFEF7, lr;
	s5 =	simm.s32 $0xFFFFFFFF;
	p2 =	slt.u32 s8, $0xFFFFF086  }
0x1c: {  	p1 =	slt.u32 s9, $0xF7A;
	s5 =	simm.s32 @!p2 $0x0  }
0x1d: {  	s5 =	simm.s32 @p1 $0x1;
	p0 =	seq.s32 s7, s2  }
0x1e: {  	s7 =	smul.u32 @!p0 $0xF7A, s2;
	p2 =	seq.s32 @!p0 s5, $0x0  }
0x1f: {  	s9 =	smul.u32 $0xF7A, s1;
	s8 =	simm.s32 @!p0 $0x1BF5;
	p2 =	por !p2, p0  }
0x20: {  	[sflag:s8] =	ssyncset.s32 @!p0 $0xFFFFF086;
	s6 =	sadd.s32 @!p0 s3, s7;
	s7 =	simm.s32 @!p0 $0x108  }
0x21: {  	s3 =	sadd.s32 s3, s9;
	s6 =	sadd.s32 @!p0 $0x88, s6;
	s7 =	simm.s32 @p2 $0x1082  }
0x22: {  	[simem:s7], [sflag:s8] =	dma.local @!p0 [hbm:s6], $0xF7A  }
0x23: {  	s9 =	sor.u32 $0xD0000000, s2;
	s6 =	simm.s32 $0x108;
	_ =	swait.ge @!p0 [sflag:s8], $0x0  }
0x24: {  	s3 =	sadd.s32 $0x88, s3;
	s6 =	simm.s32 @!p1 $0x1082;
	[sflag:s4] =	ssyncset.s32 $0xFFFFF086  }
0x25: {  	[simem:s6], [sflag:s4] =	dma.local [hbm:s3], $0xF7A  }
0x26: {  	[smem:$0x3F97] =	sst s1;
	(tag) =	ssettag s2;
	_ =	strace s9  }
0x27: {  	s1 =	sld [smem:$0x3FA7]  }
0x28: {  	s2 =	sld [smem:$0x3FA8]  }
0x29: {  	s4 =	sld [smem:$0x3FAA]  }
0x2a: {  	p0 =	seq.s32 s5, $0x0;
	s5 =	sld [smem:$0x3FAB]  }
0x2b: {  	s6 =	sld [smem:$0x3FAC]  }
0x2c: {  	s7 =	sld [smem:$0x3FAD]  }
0x2d: {  	s3 =	simm.s32 $0x108;
	s8 =	sld [smem:$0x3FAE]  }
0x2e: {  	s3 =	simm.s32 @!p0 $0x1082;
	s9 =	sld [smem:$0x3FAF]  }
0x2f: {  	lr =	sadd.s32 s0, s3;
	s0 =	sld [smem:$0x3FA6]  }
0x30: {  	s3 =	sld [smem:$0x3FA9]  }
0x31: {  	[smem:$0x3FB2] =	sst s10  }
0x32: {  	s10 =	sld [smem:$0x3FB0];
	_ =	sdelay $0x3  }
0x33: {  	p0 =	seq.s32 s10, $0x1;
	s10 =	sld [smem:$0x3FB2];
	_ =	sdelay $0x3  }
0x34: {  	[smem:$0x3FB2] =	sst s10  }
0x35: {  	s10 =	sld [smem:$0x3FB1];
	_ =	sdelay $0x3  }
0x36: {  	p1 =	seq.s32 s10, $0x1;
	s10 =	sld [smem:$0x3FB2];
	_ =	sdelay $0x3  }
0x37: {  	[smem:$0x3FB2] =	sst s10  }
0x38: {  	s10 =	sld [smem:$0x3FB3]  }
0x39: {  	_ = 	snop;
	(pc) =	sbr.ind lr, $3  }
0x3a: {  	_ = 	snop  }
0x3b: {  	_ = 	snop  }
0x3c: {  	p2 =	seq.s32 s10, $0x1;
	s10 =	sld [smem:$0x3FB2]  }
0x3d: {  	_ =	shalt  }
0x3e: {  	_ =	shalt  }
0x3f: {  	_ =	shalt  }
0x40: {  	_ =	shalt  }
0x41: {  	_ =	shalt  }
0x42: {  	_ =	shalt  }
0x43: {  	_ =	shalt  }
0x44: {  	_ =	shalt  }
0x45: {  	_ =	shalt  }
0x46: {  	_ =	shalt  }
0x47: {  	_ =	shalt  }
0x48: {  	_ =	shalt  }
0x49: {  	_ =	shalt  }
0x4a: {  	_ =	shalt  }
0x4b: {  	_ =	shalt  }
0x4c: {  	_ =	shalt  }
0x4d: {  	_ =	shalt  }
0x4e: {  	_ =	shalt  }
0x4f: {  	_ =	shalt  }
0x50: {  	_ =	shalt  }
0x51: {  	_ =	shalt  }
0x52: {  	_ =	shalt  }
0x53: {  	_ =	shalt  }
0x54: {  	_ =	shalt  }
0x55: {  	_ =	shalt  }
0x56: {  	_ =	shalt  }
0x57: {  	_ =	shalt  }
0x58: {  	_ =	shalt  }
0x59: {  	_ =	shalt  }
0x5a: {  	_ =	shalt  }
0x5b: {  	_ =	shalt  }
0x5c: {  	_ =	shalt  }
0x5d: {  	_ =	shalt  }
0x5e: {  	_ =	shalt  }
0x5f: {  	_ =	shalt  }
0x60: {  	_ =	shalt  }
0x61: {  	_ =	shalt  }
0x62: {  	_ =	shalt  }
0x63: {  	_ =	shalt  }
0x64: {  	_ =	shalt  }
0x65: {  	_ =	shalt  }
0x66: {  	_ =	shalt  }
0x67: {  	_ =	shalt  }
0x68: {  	_ =	shalt  }
0x69: {  	_ =	shalt  }
0x6a: {  	_ =	shalt  }
0x6b: {  	_ =	shalt  }
0x6c: {  	_ =	shalt  }
0x6d: {  	_ =	shalt  }
0x6e: {  	_ =	shalt  }
0x6f: {  	_ =	shalt  }
0x70: {  	_ =	shalt  }
0x71: {  	_ =	shalt  }
0x72: {  	_ =	shalt  }
0x73: {  	_ =	shalt  }
0x74: {  	_ =	shalt  }
0x75: {  	_ =	shalt  }
0x76: {  	_ =	shalt  }
0x77: {  	_ =	shalt  }
0x78: {  	_ =	shalt  }
0x79: {  	_ =	shalt  }
0x7a: {  	_ =	shalt  }
0x7b: {  	_ =	shalt  }
0x7c: {  	_ =	shalt  }
0x7d: {  	_ =	shalt  }
0x7e: {  	_ =	shalt  }
0x7f: {  	_ =	shalt  }
0x80: {  	_ =	shalt  }
0x81: {  	_ =	shalt  }
0x82: {  	_ =	shalt  }
0x83: {  	_ =	shalt  }
0x84: {  	_ =	shalt  }
0x85: {  	_ =	shalt  }
0x86: {  	_ =	shalt  }
0x87: {  	_ =	shalt  }
.Lfunc_end0:
.L_simem_size_0:
called_computation.1_lowered:
.L_overlay_start_0:
0x88: {  	s2 =	sld [smem:$0x3FD9]  }
0x89: {  	s3 =	sld [smem:$0x3FFE];
	_ =	sdelay $0x1  }
0x8a: {  	s1 =	srdreg.scid  }
0x8b: {  	s0 =	sand.u32 $0x1, s1  }
0x8c: {  	s17 =	sshll.u32 s0, $0xA;
	s2 =	sadd.s32 s3, s2  }
0x8d: {  	s2 =	sadd.s32 s2, s17  }
0x8e: {  	[smem:$0x3FBE] =	sst s2  }
0x8f: {  	_ = 	snop  }
0x90: {  	s2 =	sld [smem:$0x3FD0];
	(tm) =	ssettm $0x1  }
0x91: {  	s18 =	sld [smem:$0x3FFB];
	_ =	sdelay $0x3  }
0x92: {  	_ =	strace s18  }
0x93: {  	s3 =	sld [smem:$0x3FFC];
	_ =	sdelay $0x3  }
0x94: {  	_ =	strace s3  }
0x95: {  	s3 =	sld [smem:$0x3FFD];
	_ =	sdelay $0x3  }
0x96: {  	_ =	strace s3  }
0x97: {  	_ =	strace $0x8FFFFFFF  }
0x98: {  	s19 =	sld [smem:$0x3FDB];
	_ =	sdelay $0x1  }
0x99: {  	s4 =	simm.s32 $_scs_section_size  }
0x9a: {  	s5 =	simm.s32 $_size__tile_overlayer_lowered;
	s6 =	simm.s32 $_tile_overlayer_lowered  }
0x9b: {  	s22 =	simm.s32 $0x1BFF;
	s21 =	sshll.u32 s6, $0x1;
	s3 =	sadd.s32 s4, s19  }
0x9c: {  	s7 =	simm.s32 $0x0;
	s20 =	sshll.u32 s5, $0x1;
	s5 =	sadd.s32 s21, s3  }
0x9d: {  	[timem:s7], [sflag:s22] =	dma.local [hbm:s5], s20  }
0x9e: {  	_ =	swait.ge [sflag:s22], s20  }
0x9f: {  	s4 =	ssub.s32 $0x0, s20;
	[sflag:s22] =	ssyncset.done $0x0  }
0xa0: {  	[sflag:s22] =	ssyncadd.s32 s4;
	_ =	sdelay $0x1  }
0xa1: {  	s23 =	simm.s32 $0x1B8B  }
0xa2: {  	_ =	swait.ge [sflag:s23], $0x1  }
0xa3: {  	[sflag:s23] =	ssyncset.done $0x0  }
0xa4: {  	s25 =	simm.s32 $0x1B8E;
	s24 =	sld [smem:$0x3FFE];
	[sflag:s23] =	ssyncadd.s32 $0xFFFFFFFF  }
0xa5: {  	s26 =	simm.s32 $execute0_lowered;
	[smem:$0x3FD2] =	sst s25  }
0xa6: {  	s5 =	sshll.u32 s26, $0x1;
	_ =	strace $0x80000049;
	[dreg:$0x1] =	wrdreg $0xFFFFFFFF  }
0xa7: {  	s28 =	simm.s32 $_size_execute0_lowered;
	s3 =	sadd.s32 s3, s5;
	[dreg:$0x0] =	wrdreg $0x0  }
0xa8: {  	s5 =	sshll.u32 s28, $0x1;
	[dreg:$0x2] =	wrdreg s3  }
0xa9: {  	[dreg:$0x3] =	wrdreg s5  }
0xaa: {  	[dreg:$0x4] =	wrdreg $0xC0  }
0xab: {  	_ =	task [dreg:s7], $0x5FFFF  }
0xac: {  	[dreg:$0x1] =	wrdreg $0xFFFFFFFF  }
0xad: {  	[dreg:$0x0] =	wrdreg $0x60  }
0xae: {  	[dreg:$0x2] =	wrdreg s24  }
0xaf: {  	[dreg:$0x3] =	wrdreg s2  }
0xb0: {  	[dreg:$0x4] =	wrdreg $0x82800  }
0xb1: {  	[dreg:$0x5] =	wrdreg $0x9  }
0xb2: {  	_ =	task.clear_ibuf [dreg:s7], $0x6FFFF;
	_ =	strace $0x90000049  }
0xb3: {  	s29 =	simm.s32 $0x9;
	_ =	strace $0x8000004B  }
0xb4: {  	_ =	swait.ge [sflag:s29], $0x1  }
0xb5: {  	[sflag:s29] =	ssyncadd.s32 $0xFFFFFFFF  }
0xb6: {  	_ =	strace $0x9000004B  }
0xb7: {  	_ =	sfence  }
0xb8: {  	s30 =	sld [smem:$0x0];
	_ =	sdelay $0x2  }
0xb9: {  	s31 =	sshll.u32 s1, $0xD;
	s1 =	sshrl.u32 s1, $0x2  }
0xba: {  	s3 =	sand.u32 $0x4000, s31;
	s1 =	sadd.s32 s1, s30  }
0xbb: {  	s0 =	sor.u32 s3, s0;
	s1 =	sshll.u32 s1, $0x11  }
0xbc: {  	s0 =	sor.u32 s1, s0  }
0xbd: {  	s0 =	sadd.s32 $0x8F2B, s0  }
0xbe: {  	[sflag:s0] =	ssyncadd.remote.s32 $0x1  }
0xbf: {  	_ =	sfence.sel $0xFFFF  }
0xc0: {  	[dreg:$0x0] =	wrdreg $0xFFFFFFFF;
	(pc) =	sbr.abs _section_cstart, $3  }
0xc1: {  	[dreg:$0x1] =	wrdreg $0xFFFFFFFF  }
0xc2: {  	_ =	task.clear_ibuf [dreg:s7], $0x2FFFF;
	_ =	strace $0x9FFFFFFF  }
0xc3: {  	(tm) =	ssettm $0x7FFFFFFF  }
tec
execute0_lowered:
.L_overlay_start_1:
0x0: {  	(tag) =	ssettag $0x1  }
0x1: {  	s0 =	rddreg [dreg:$0x0]  }
0x2: {  	s1 =	rddreg [dreg:$0x1]  }
0x3: {  	s2 =	rddreg [dreg:$0x2];
	s3 =	srdreg.scid;
	s4 =	simm.s32 $0x0  }
0x4: {  	s12 =	stileid.u32;
	s17 =	simm.s32 $0x5;
	s19 =	simm.s32 $0x80  }
0x5: {  	s20 =	simm.s32 $0x200;
	s28 =	simm.s32 $0x180;
	s29 =	simm.s32 $0x4  }
0x6: {  	s30 =	simm.s32 $0x0;
	s3 =	sand.u32 $0x1, s3;
	[smem:$0x7FF] =	sst s4  }
0x7: {  	s8 =	smul.u32 $0x13C00, s12;
	s5 =	sadd.s32 $0x4F600, s0;
	s6 =	sadd.s32 $0x400, s0  }
0x8: {  	s9 =	sadd.s32 $0x4F400, s0;
	s21 =	sadd.s32 $0x63A00, s0;
	s11 =	smul.u32 $0x4F000, s12  }
0x9: {  	s23 =	sshll.u32 s12, $0x1;
	s7 =	smul.u32 $0x13C000, s3;
	_ =	strace $0x8000004A  }
0xa: {  	[dreg:$0x4] =	wrdreg s9;
	s22 =	ssub.s32 $0x2, s3;
	s3 =	sor.u32 s3, s23  }
0xb: {  	s26 =	sshll.u32 s12, $0x6;
	[dreg:$0x5] =	wrdreg s21;
	s9 =	smul.u32 $0xA2, s3  }
0xc: {  	s21 =	simm.s32 $0x1;
	s23 =	simm.s32 $0x100;
	s31 =	smul.u32 $0xA20, s3  }
0xd: {  	s10 =	sshrl.u32 s22, $0x1;
	s25 =	sshrl.u32 s11, $0x2;
	s11 =	smul.u32 $0x2880, s3  }
0xe: {  	s7 =	sadd.s32 s8, s7;
	s24 =	ssub.s32 s22, s10;
	s8 =	sadd.s32 s25, s2  }
0xf: {  	s10 =	sor.u32 $0x1C05, s26;
	s22 =	simm.s32 $0x4200;
	s25 =	simm.s32 $0x2  }
0x10: {  	s26 =	simm.s32 $0x3;
	s7 =	sshrl.u32 s7, $0x3;
	s12 =	sadd.s32 s5, s31  }
0x11: {  	s13 =	sadd.s32 $0x2, s9;
	s15 =	smax.u32 s24, $0x1;
	s0 =	sadd.s32 s7, s0  }
0x12: {  	s16 =	sshrl.u32 s8, $0x3;
	s24 =	simm.s32 $0x40;
	s14 =	sadd.s32 $0x66200, s0  }
.LBB2_1:
0x13: {  	s0 =	rddreg [dreg:$0x5]  }
0x14: {  	[spmem:s16], [sflag:s10] =	dma.local [hbm:s0], $0x2780  }
0x15: {  	_ =	swait.ge [sflag:s17], $0x2780  }
0x16: {  	[sflag:s17] =	ssyncset.done $0x0  }
0x17: {  	s3 =	simm.s32 $0x8200;
	s18 =	rddreg [dreg:$0x4];
	[sflag:s17] =	ssyncadd.s32 $0xFFFFD880  }
0x18: {  	[tilespmem:s3], [sflag:$0x5] =	stream.linear.gather [hbm4b:s18+s4], $0x80, $0x38;
	[tilespmem:$0x1BE80] =	vst v63  }
0x19: {  	_ =	swait.ge [sflag:s17], $0x80  }
0x1a: {  	[sflag:s17] =	ssyncset.done $0x0  }
0x1b: {  	[sflag:s17] =	ssyncadd.s32 $0xFFFFFF80  }
0x1c: {  	[bflag:$0x0] =	sbarrier.arrive $0xFFFF  }
0x1d: {  	v0 =	vld [tilespmem:$0x8200]  }
0x1e: {  	v1 =	vld [tilespmem:$0x8210]  }
0x1f: {  	v2 =	vld [tilespmem:$0x8220]  }
0x20: {  	v3 =	vld [tilespmem:$0x8230];
	[tilespmem:s4], [sflag:$0x5] =	stream.linear.gather [hbm4b:s12+s4], $0x80, $0x38  }
0x21: {  	_ =	swait.ge [sflag:s17], $0x80  }
0x22: {  	[sflag:s17] =	ssyncset.done $0x0  }
0x23: {  	s31 =	simm.s32 $0x0;
	[sflag:s17] =	ssyncadd.s32 $0xFFFFFF80  }
0x24: {  	[tilespmem:s20], [sflag:$0x1] =	stream.indirect.gather [hbm4b:s6+s19], $0x80, s4, s19, $0xb8;
	[tilespmem:$0x1BE80] =	vst v63  }
.LBB2_2:
0x25: {  	s3 =	sshll.u32 s31, $0x1;
	_ =	swait.ge [sflag:s21], $0x4000  }
0x26: {  	p0 =	seq.s32 s31, $0x0;
	[sflag:s21] =	ssyncset.done $0x0;
	s0 =	sor.u32 $0x1, s3  }
0x27: {  	s7 =	simm.s32 @!p0 $0x4;
	[sflag:s21] =	ssyncadd.s32 $0xFFFFC000;
	s8 =	sadd.s32 s9, s0  }
0x28: {  	_ =	swait.ge @!p0 [sflag:s7], $0x400;
	s8 =	sshll.u32 s8, $0x4  }
0x29: {  	[sflag:s7] =	ssyncset.done @!p0 $0x0;
	s8 =	sand.u32 $0x1FFFFFF0, s8  }
0x2a: {  	[sflag:s7] =	ssyncadd.s32 @!p0 $0xFFFFFC00;
	s18 =	sadd.s32 s5, s8;
	s8 =	simm.s32 $0x0  }
0x2b: {  	[tilespmem:s19], [sflag:$0x5] =	stream.linear.gather [hbm4b:s18+s8], $0x80, $0x38;
	[tilespmem:$0x1BE80] =	vst v63  }
0x2c: {  	s18 =	sshll.u32 s31, $0x7;
	_ =	swait.ge [sflag:s17], $0x80  }
0x2d: {  	s7 =	sadd.s32 s11, s18;
	[sflag:s17] =	ssyncset.done $0x0  }
0x2e: {  	s7 =	sshrl.u32 s7, $0x3;
	[sflag:s17] =	ssyncadd.s32 $0xFFFFFF80  }
0x2f: {  	[tilespmem:s22], [sflag:$0x2] =	stream.indirect.gather [hbm4b:s6+s19], $0x80, s19, s19, $0xb8;
	[tilespmem:$0x1BE80] =	vst v63  }
0x30: {  	s7 =	sadd.s32 s1, s7  }
0x31: {  	[tilespmem:s23], [sflag:$0x5] =	stream.linear.gather [hbm4b:s7+s8], $0x40, $0x38;
	[tilespmem:$0x1BE80] =	vst v63  }
0x32: {  	_ =	swait.ge [sflag:s17], $0x40  }
0x33: {  	[sflag:s17] =	ssyncset.done $0x0  }
0x34: {  	s18 =	simm.s32 $0x0;
	[sflag:s17] =	ssyncadd.s32 $0xFFFFFFC0  }
0x35: {  	v4 =	vld [tilespmem:s18+$0x2200]  }
0x36: {  	v5 =	vld [tilespmem:s18+$0x2210]  }
0x37: {  	v6 =	vld [tilespmem:s18+$0x240]  }
0x38: {  	v7 =	vld [tilespmem:s18+$0x2220]  }
0x39: {  	v8 =	vld [tilespmem:s18+$0x250]  }
0x3a: {  	v9 =	vld [tilespmem:s18+$0x260];
	_ =	sdelay $0x2  }
0x3b: {  	v4 =	vadd.f32 v4, v6  }
0x3c: {  	v5 =	vadd.f32 v5, v8  }
0x3d: {  	v7 =	vadd.f32 v7, v9;
	v6 =	vmul.f32 $2.000000030e-01, v4  }
0x3e: {  	v10 =	vld [tilespmem:s18+$0x270];
	v8 =	vmul.f32 $2.000000030e-01, v5  }
0x3f: {  	v9 =	vmul.f32 $2.000000030e-01, v7;
	v4 =	vmax.f32 v4, v6;
	v6 =	vld [tilespmem:s18+$0x2230]  }
0x40: {  	v5 =	vmax.f32 v5, v8;
	v4 =	vsub.f32 v4, v0  }
0x41: {  	v7 =	vmax.f32 v7, v9;
	v5 =	vsub.f32 v5, v1  }
0x42: {  	v7 =	vsub.f32 v7, v2;
	v4 =	vmul.f32 $1.442695020e+00, v4  }
0x43: {  	v5 =	vmul.f32 $1.442695020e+00, v5  }
0x44: {  	v7 =	vmul.f32 $1.442695020e+00, v7;
	(erf) = vpow2.f32 v4;
	v6 =	vadd.f32 v6, v10  }
0x45: {  	(erf) = vpow2.f32 v5  }
0x46: {  	(erf) = vpow2.f32 v7;
	v7 =	vmul.f32 $2.000000030e-01, v6;
	_ =	sdelay $0x1  }
0x47: {  	v6 =	vmax.f32 v6, v7  }
0x48: {  	v6 =	vsub.f32 v6, v3;
	_ =	sdelay $0x1  }
0x49: {  	v6 =	vmul.f32 $1.442695020e+00, v6;
	_ =	sdelay $0x1  }
0x4a: {  	v13 =	vld [tilespmem:s18+$0x210];
	v14 =	vpop (erf);
	(erf) = vpow2.f32 v6  }
0x4b: {  	v11 =	vld [tilespmem:s18+$0x220]  }
0x4c: {  	s7 =	simm.s32 $0x80;
	v9 =	vld [tilespmem:s18+$0x200]  }
0x4d: {  	v8 =	vld [tilespmem:s7+$0x2220]  }
0x4e: {  	v4 =	vld [tilespmem:s7+$0x2200]  }
0x4f: {  	v7 =	vld [tilespmem:s18+$0x230]  }
0x50: {  	v10 =	vld [tilespmem:s7+$0x2230]  }
0x51: {  	v5 =	vld [tilespmem:s7+$0x2210];
	[tilespmem:s18+$0x240] =	vst v14;
	v15 =	vpop (erf)  }
0x52: {  	s8 =	simm.s32 $0x400;
	v6 =	vmul.f32 v14, v9;
	v12 =	vld [tilespmem:s7+$0x240];
	v9 =	vmul.f32 v15, v13;
	[tilespmem:s18+$0x250] =	vst v15;
	v13 =	vpop (erf)  }
.LBB2_3:
0x53: {  	p0 =	sne.s32 s8, $0x7E00;
	v14 =	vld [tilespmem:s7+$0x250];
	v11 =	vmul.f32 v13, v11;
	[tilespmem:s18+$0x260] =	vst v13;
	v13 =	vpop (erf)  }
0x54: {  	v15 =	vld [tilespmem:s7+$0x260];
	v7 =	vmul.f32 v13, v7;
	[tilespmem:s18+$0x270] =	vst v13  }
0x55: {  	v13 =	vld [tilespmem:s7+$0x270];
	[tilespmem:s18+$0x220] =	vst v11  }
0x56: {  	[tilespmem:s18+$0x230] =	vst v7  }
0x57: {  	v4 =	vadd.f32 v4, v12;
	[tilespmem:s18+$0x210] =	vst v9  }
0x58: {  	v5 =	vadd.f32 v5, v14;
	[tilespmem:s18+$0x200] =	vst v6;
	s18 =	smov.u32 s7  }
0x59: {  	v6 =	vmul.f32 $2.000000030e-01, v4;
	v7 =	vadd.f32 v8, v15  }
0x5a: {  	v8 =	vmul.f32 $2.000000030e-01, v5;
	v9 =	vadd.f32 v10, v13  }
0x5b: {  	v4 =	vmax.f32 v4, v6;
	v6 =	vmul.f32 $2.000000030e-01, v7  }
0x5c: {  	v4 =	vsub.f32 v4, v0;
	v5 =	vmax.f32 v5, v8;
	v8 =	vmul.f32 $2.000000030e-01, v9  }
0x5d: {  	v5 =	vsub.f32 v5, v1;
	v6 =	vmax.f32 v7, v6  }
0x5e: {  	v4 =	vmul.f32 $1.442695020e+00, v4;
	v6 =	vsub.f32 v6, v2;
	v7 =	vmax.f32 v9, v8  }
0x5f: {  	v5 =	vmul.f32 $1.442695020e+00, v5;
	v7 =	vsub.f32 v7, v3  }
0x60: {  	v6 =	vmul.f32 $1.442695020e+00, v6;
	(erf) = vpow2.f32 v4  }
0x61: {  	v7 =	vmul.f32 $1.442695020e+00, v7;
	(erf) = vpow2.f32 v5  }
0x62: {  	s7 =	sshra.s32 s8, $0x2;
	(erf) = vpow2.f32 v6  }
0x63: {  	v4 =	vld [tilespmem:s7+$0x2200];
	(erf) = vpow2.f32 v7  }
0x64: {  	v5 =	vld [tilespmem:s7+$0x2210]  }
0x65: {  	v6 =	vld [tilespmem:s18+$0x200]  }
0x66: {  	v9 =	vld [tilespmem:s18+$0x210]  }
.Ltmp0:
0x67: {  	v11 =	vld [tilespmem:s18+$0x220];
	(pc) =	sbr.rel @p0 .LBB2_3-.Ltmp0, $4  }
0x68: {  	v7 =	vld [tilespmem:s18+$0x230]  }
0x69: {  	v8 =	vld [tilespmem:s7+$0x2220];
	v12 =	vpop (erf)  }
0x6a: {  	v10 =	vld [tilespmem:s7+$0x2230];
	v6 =	vmul.f32 v12, v6;
	[tilespmem:s18+$0x240] =	vst v12;
	v13 =	vpop (erf)  }
0x6b: {  	s8 =	sadd.s32 $0x200, s8;
	v12 =	vld [tilespmem:s7+$0x240];
	v9 =	vmul.f32 v13, v9;
	[tilespmem:s18+$0x250] =	vst v13;
	v13 =	vpop (erf)  }
0x6c: {  	v14 =	vld [tilespmem:s7+$0x250];
	[tilespmem:s18+$0x260] =	vst v13  }
0x6d: {  	v15 =	vpop (erf);
	v16 =	vld [tilespmem:s7+$0x260]  }
0x6e: {  	[tilespmem:s18+$0x270] =	vst v15  }
0x6f: {  	v17 =	vld [tilespmem:s7+$0x270]  }
0x70: {  	v4 =	vadd.f32 v4, v12  }
0x71: {  	v5 =	vadd.f32 v5, v14  }
0x72: {  	v8 =	vadd.f32 v8, v16;
	v12 =	vmul.f32 $2.000000030e-01, v4  }
0x73: {  	v14 =	vmul.f32 $2.000000030e-01, v5  }
0x74: {  	v10 =	vadd.f32 v10, v17;
	v4 =	vmax.f32 v4, v12;
	v12 =	vmul.f32 $2.000000030e-01, v8  }
0x75: {  	v4 =	vsub.f32 v4, v0;
	v5 =	vmax.f32 v5, v14  }
0x76: {  	v14 =	vmul.f32 $2.000000030e-01, v10;
	v5 =	vsub.f32 v5, v1;
	v8 =	vmax.f32 v8, v12  }
0x77: {  	v4 =	vmul.f32 $1.442695020e+00, v4;
	v8 =	vsub.f32 v8, v2  }
0x78: {  	v11 =	vmul.f32 v13, v11;
	v10 =	vmax.f32 v10, v14;
	v5 =	vmul.f32 $1.442695020e+00, v5  }
0x79: {  	v10 =	vsub.f32 v10, v3;
	v8 =	vmul.f32 $1.442695020e+00, v8;
	(erf) = vpow2.f32 v4  }
0x7a: {  	(erf) = vpow2.f32 v5  }
0x7b: {  	[tilespmem:s18+$0x220] =	vst v11;
	v4 =	vmul.f32 $1.442695020e+00, v10;
	(erf) = vpow2.f32 v8  }
0x7c: {  	v7 =	vmul.f32 v15, v7;
	[tilespmem:s18+$0x210] =	vst v9  }
0x7d: {  	[tilespmem:s18+$0x200] =	vst v6;
	(erf) = vpow2.f32 v4  }
0x7e: {  	[tilespmem:s18+$0x230] =	vst v7  }
0x7f: {  	v4 =	vld [tilespmem:s7+$0x200]  }
0x80: {  	v7 =	vld [tilespmem:s7+$0x210]  }
0x81: {  	v5 =	vld [tilespmem:s7+$0x220]  }
0x82: {  	v8 =	vpop (erf)  }
0x83: {  	v6 =	vld [tilespmem:s7+$0x230];
	[tilespmem:s7+$0x240] =	vst v8;
	v9 =	vpop (erf)  }
0x84: {  	v4 =	vmul.f32 v8, v4;
	[tilespmem:s7+$0x250] =	vst v9;
	v10 =	vpop (erf)  }
0x85: {  	[tilespmem:s7+$0x260] =	vst v10  }
0x86: {  	v7 =	vmul.f32 v9, v7;
	v5 =	vmul.f32 v10, v5;
	v10 =	vpop (erf);
	[tilespmem:s7+$0x200] =	vst v4  }
0x87: {  	[tilespmem:s7+$0x270] =	vst v10  }
0x88: {  	v6 =	vmul.f32 v10, v6;
	[tilespmem:s7+$0x210] =	vst v7  }
0x89: {  	[tilespmem:s7+$0x220] =	vst v5  }
0x8a: {  	[tilespmem:s7+$0x230] =	vst v6  }
0x8b: {  	[spmem:s2] =	stream.indirect.scatter.add.f32 [tilespmem:s20], [sflag:$0x3], $0x80, s23, s24, $0xb8;
	[tilespmem:$0x1BE80] =	vst v63  }
0x8c: {  	_ =	swait.ge [sflag:s25], $0x4000  }
0x8d: {  	[sflag:s25] =	ssyncset.done $0x0  }
0x8e: {  	s3 =	smin.u32 s3, $0x9F;
	[sflag:s25] =	ssyncadd.s32 $0xFFFFC000  }
0x8f: {  	s3 =	sadd.s32 s3, s13;
	_ =	swait.ge [sflag:s26], $0x400  }
0x90: {  	s3 =	sshll.u32 s3, $0x4;
	[sflag:s26] =	ssyncset.done $0x0  }
0x91: {  	s3 =	sadd.s32 s5, s3;
	s18 =	simm.s32 $0x0;
	[sflag:s26] =	ssyncadd.s32 $0xFFFFFC00  }
0x92: {  	[tilespmem:s18], [sflag:$0x5] =	stream.linear.gather [hbm4b:s3+s18], $0x80, $0x38;
	[tilespmem:$0x1BE80] =	vst v63  }
0x93: {  	s0 =	sshll.u32 s0, $0x6;
	_ =	swait.ge [sflag:s17], $0x80  }
0x94: {  	s0 =	sadd.s32 s11, s0;
	[sflag:s17] =	ssyncset.done $0x0  }
0x95: {  	s0 =	sshrl.u32 s0, $0x3;
	[sflag:s17] =	ssyncadd.s32 $0xFFFFFF80  }
0x96: {  	[tilespmem:s20], [sflag:$0x1] =	stream.indirect.gather [hbm4b:s6+s19], $0x80, s18, s19, $0xb8;
	[tilespmem:$0x1BE80] =	vst v63  }
0x97: {  	s0 =	sadd.s32 s1, s0  }
0x98: {  	[tilespmem:s28], [sflag:$0x5] =	stream.linear.gather [hbm4b:s0+s18], $0x40, $0x38;
	[tilespmem:$0x1BE80] =	vst v63  }
0x99: {  	_ =	swait.ge [sflag:s17], $0x40  }
0x9a: {  	[sflag:s17] =	ssyncset.done $0x0  }
0x9b: {  	s0 =	simm.s32 $0x0;
	[sflag:s17] =	ssyncadd.s32 $0xFFFFFFC0  }
0x9c: {  	v4 =	vld [tilespmem:s0+$0x6200]  }
0x9d: {  	v5 =	vld [tilespmem:s0+$0x6210]  }
0x9e: {  	v6 =	vld [tilespmem:s0+$0x4240]  }
0x9f: {  	v7 =	vld [tilespmem:s0+$0x6220]  }
0xa0: {  	v8 =	vld [tilespmem:s0+$0x4250]  }
0xa1: {  	v9 =	vld [tilespmem:s0+$0x4260];
	_ =	sdelay $0x2  }
0xa2: {  	v4 =	vadd.f32 v4, v6  }
0xa3: {  	v5 =	vadd.f32 v5, v8  }
0xa4: {  	v7 =	vadd.f32 v7, v9;
	v6 =	vmul.f32 $2.000000030e-01, v4  }
0xa5: {  	v10 =	vld [tilespmem:s0+$0x4270];
	v8 =	vmul.f32 $2.000000030e-01, v5  }
0xa6: {  	v9 =	vmul.f32 $2.000000030e-01, v7;
	v4 =	vmax.f32 v4, v6;
	v6 =	vld [tilespmem:s0+$0x6230]  }
0xa7: {  	v5 =	vmax.f32 v5, v8;
	v4 =	vsub.f32 v4, v0  }
0xa8: {  	v7 =	vmax.f32 v7, v9;
	v5 =	vsub.f32 v5, v1  }
0xa9: {  	v7 =	vsub.f32 v7, v2;
	v4 =	vmul.f32 $1.442695020e+00, v4  }
0xaa: {  	v5 =	vmul.f32 $1.442695020e+00, v5  }
0xab: {  	v7 =	vmul.f32 $1.442695020e+00, v7;
	(erf) = vpow2.f32 v4;
	v6 =	vadd.f32 v6, v10  }
0xac: {  	(erf) = vpow2.f32 v5  }
0xad: {  	(erf) = vpow2.f32 v7;
	v7 =	vmul.f32 $2.000000030e-01, v6;
	_ =	sdelay $0x1  }
0xae: {  	v6 =	vmax.f32 v6, v7  }
0xaf: {  	v6 =	vsub.f32 v6, v3;
	_ =	sdelay $0x1  }
0xb0: {  	v6 =	vmul.f32 $1.442695020e+00, v6;
	_ =	sdelay $0x1  }
0xb1: {  	v13 =	vld [tilespmem:s0+$0x4210];
	v14 =	vpop (erf);
	(erf) = vpow2.f32 v6  }
0xb2: {  	v11 =	vld [tilespmem:s0+$0x4220]  }
0xb3: {  	s3 =	simm.s32 $0x80;
	v9 =	vld [tilespmem:s0+$0x4200]  }
0xb4: {  	v8 =	vld [tilespmem:s3+$0x6220]  }
0xb5: {  	v4 =	vld [tilespmem:s3+$0x6200]  }
0xb6: {  	v7 =	vld [tilespmem:s0+$0x4230]  }
0xb7: {  	v10 =	vld [tilespmem:s3+$0x6230]  }
0xb8: {  	v5 =	vld [tilespmem:s3+$0x6210];
	[tilespmem:s0+$0x4240] =	vst v14;
	v15 =	vpop (erf)  }
0xb9: {  	s7 =	simm.s32 $0x400;
	v6 =	vmul.f32 v14, v9;
	v12 =	vld [tilespmem:s3+$0x4240];
	v9 =	vmul.f32 v15, v13;
	[tilespmem:s0+$0x4250] =	vst v15;
	v13 =	vpop (erf)  }
.LBB2_5:
0xba: {  	p0 =	sne.s32 s7, $0x7E00;
	v14 =	vld [tilespmem:s3+$0x4250];
	v11 =	vmul.f32 v13, v11;
	[tilespmem:s0+$0x4260] =	vst v13;
	v13 =	vpop (erf)  }
0xbb: {  	v15 =	vld [tilespmem:s3+$0x4260];
	v7 =	vmul.f32 v13, v7;
	[tilespmem:s0+$0x4270] =	vst v13  }
0xbc: {  	v13 =	vld [tilespmem:s3+$0x4270];
	[tilespmem:s0+$0x4220] =	vst v11  }
0xbd: {  	[tilespmem:s0+$0x4230] =	vst v7  }
0xbe: {  	v4 =	vadd.f32 v4, v12;
	[tilespmem:s0+$0x4210] =	vst v9  }
0xbf: {  	v5 =	vadd.f32 v5, v14;
	[tilespmem:s0+$0x4200] =	vst v6;
	s0 =	smov.u32 s3  }
0xc0: {  	v6 =	vmul.f32 $2.000000030e-01, v4;
	v7 =	vadd.f32 v8, v15  }
0xc1: {  	v8 =	vmul.f32 $2.000000030e-01, v5;
	v9 =	vadd.f32 v10, v13  }
0xc2: {  	v4 =	vmax.f32 v4, v6;
	v6 =	vmul.f32 $2.000000030e-01, v7  }
0xc3: {  	v4 =	vsub.f32 v4, v0;
	v5 =	vmax.f32 v5, v8;
	v8 =	vmul.f32 $2.000000030e-01, v9  }
0xc4: {  	v5 =	vsub.f32 v5, v1;
	v6 =	vmax.f32 v7, v6  }
0xc5: {  	v4 =	vmul.f32 $1.442695020e+00, v4;
	v6 =	vsub.f32 v6, v2;
	v7 =	vmax.f32 v9, v8  }
0xc6: {  	v5 =	vmul.f32 $1.442695020e+00, v5;
	v7 =	vsub.f32 v7, v3  }
0xc7: {  	v6 =	vmul.f32 $1.442695020e+00, v6;
	(erf) = vpow2.f32 v4  }
0xc8: {  	v7 =	vmul.f32 $1.442695020e+00, v7;
	(erf) = vpow2.f32 v5  }
0xc9: {  	s3 =	sshra.s32 s7, $0x2;
	(erf) = vpow2.f32 v6  }
0xca: {  	v4 =	vld [tilespmem:s3+$0x6200];
	(erf) = vpow2.f32 v7  }
0xcb: {  	v5 =	vld [tilespmem:s3+$0x6210]  }
0xcc: {  	v6 =	vld [tilespmem:s0+$0x4200]  }
0xcd: {  	v9 =	vld [tilespmem:s0+$0x4210]  }
.Ltmp1:
0xce: {  	v11 =	vld [tilespmem:s0+$0x4220];
	(pc) =	sbr.rel @p0 .LBB2_5-.Ltmp1, $4  }
0xcf: {  	v7 =	vld [tilespmem:s0+$0x4230]  }
0xd0: {  	v8 =	vld [tilespmem:s3+$0x6220];
	v12 =	vpop (erf)  }
0xd1: {  	v10 =	vld [tilespmem:s3+$0x6230];
	v6 =	vmul.f32 v12, v6;
	[tilespmem:s0+$0x4240] =	vst v12;
	v13 =	vpop (erf)  }
0xd2: {  	s7 =	sadd.s32 $0x200, s7;
	v12 =	vld [tilespmem:s3+$0x4240];
	v9 =	vmul.f32 v13, v9;
	[tilespmem:s0+$0x4250] =	vst v13;
	v13 =	vpop (erf)  }
0xd3: {  	v14 =	vld [tilespmem:s3+$0x4250];
	[tilespmem:s0+$0x4260] =	vst v13  }
0xd4: {  	v15 =	vpop (erf);
	v16 =	vld [tilespmem:s3+$0x4260]  }
0xd5: {  	[tilespmem:s0+$0x4270] =	vst v15  }
0xd6: {  	v17 =	vld [tilespmem:s3+$0x4270]  }
0xd7: {  	v4 =	vadd.f32 v4, v12  }
0xd8: {  	v5 =	vadd.f32 v5, v14  }
0xd9: {  	v8 =	vadd.f32 v8, v16;
	v12 =	vmul.f32 $2.000000030e-01, v4  }
0xda: {  	v14 =	vmul.f32 $2.000000030e-01, v5  }
0xdb: {  	v10 =	vadd.f32 v10, v17;
	v4 =	vmax.f32 v4, v12;
	v58 =	vmul.f32 $2.000000030e-01, v8  }
0xdc: {  	v4 =	vsub.f32 v4, v0;
	v5 =	vmax.f32 v5, v14  }
0xdd: {  	v59 =	vmul.f32 $2.000000030e-01, v10;
	v5 =	vsub.f32 v5, v1;
	v8 =	vmax.f32 v8, v58  }
0xde: {  	v4 =	vmul.f32 $1.442695020e+00, v4;
	v8 =	vsub.f32 v8, v2  }
0xdf: {  	v11 =	vmul.f32 v13, v11;
	v10 =	vmax.f32 v10, v59;
	v5 =	vmul.f32 $1.442695020e+00, v5  }
0xe0: {  	v10 =	vsub.f32 v10, v3;
	v8 =	vmul.f32 $1.442695020e+00, v8;
	(erf) = vpow2.f32 v4  }
0xe1: {  	(erf) = vpow2.f32 v5  }
0xe2: {  	[tilespmem:s0+$0x4220] =	vst v11;
	v4 =	vmul.f32 $1.442695020e+00, v10;
	(erf) = vpow2.f32 v8  }
0xe3: {  	v7 =	vmul.f32 v15, v7;
	[tilespmem:s0+$0x4210] =	vst v9  }
0xe4: {  	[tilespmem:s0+$0x4200] =	vst v6;
	(erf) = vpow2.f32 v4  }
0xe5: {  	[tilespmem:s0+$0x4230] =	vst v7  }
0xe6: {  	v4 =	vld [tilespmem:s3+$0x4200];
	_ =	sdelay $0x1  }
0xe7: {  	v7 =	vld [tilespmem:s3+$0x4210]  }
0xe8: {  	v5 =	vld [tilespmem:s3+$0x4220];
	v60 =	vpop (erf)  }
0xe9: {  	v6 =	vld [tilespmem:s3+$0x4230];
	[tilespmem:s3+$0x4240] =	vst v60;
	v61 =	vpop (erf)  }
0xea: {  	v4 =	vmul.f32 v60, v4;
	[tilespmem:s3+$0x4250] =	vst v61;
	v62 =	vpop (erf)  }
0xeb: {  	s31 =	sadd.s32 $0x1, s31;
	[tilespmem:s3+$0x4260] =	vst v62  }
0xec: {  	p0 =	sne.s32 s31, $0x51;
	v7 =	vmul.f32 v61, v7;
	v63 =	vpop (erf);
	[tilespmem:s3+$0x4200] =	vst v4  }
.Ltmp2:
0xed: {  	v5 =	vmul.f32 v62, v5;
	[tilespmem:s3+$0x4270] =	vst v63;
	(pc) =	sbr.rel @p0 .LBB2_2-.Ltmp2, $4  }
0xee: {  	v6 =	vmul.f32 v63, v6;
	[tilespmem:s3+$0x4210] =	vst v7  }
0xef: {  	[tilespmem:s3+$0x4220] =	vst v5  }
0xf0: {  	[tilespmem:s3+$0x4230] =	vst v6  }
0xf1: {  	[spmem:s2] =	stream.indirect.scatter.add.f32 [tilespmem:s22], [sflag:$0x4], $0x80, s28, s24, $0xb8;
	[tilespmem:$0x1BE80] =	vst v63  }
0xf2: {  	_ =	swait.ge [sflag:s29], $0x400  }
0xf3: {  	[sflag:s29] =	ssyncset.done $0x0  }
0xf4: {  	[sflag:s29] =	ssyncadd.s32 $0xFFFFFC00  }
0xf5: {  	_ =	swait.ge [sflag:s21], $0x4000  }
0xf6: {  	s30 =	sadd.s32 $0x1, s30;
	[sflag:s21] =	ssyncset.done $0x0  }
0xf7: {  	p0 =	sne.s32 s30, s15;
	[sflag:s21] =	ssyncadd.s32 $0xFFFFC000  }
.Ltmp3:
0xf8: {  	[bflag:$0x0] =	sbarrier.arrive $0xFFFF;
	(pc) =	sbr.rel @p0 .LBB2_1-.Ltmp3, $4  }
0xf9: {  	[hbm:s14], [sflag:s10] =	dma.local [spmem:s16], $0x2780  }
0xfa: {  	_ =	swait.ge [sflag:s17], $0x2780  }
0xfb: {  	[sflag:s17] =	ssyncset.done $0x0  }
0xfc: {  	[sflag:s17] =	ssyncadd.s32 $0xFFFFD880  }
0xfd: {  	_ =	sfence.sel $0x180000  }
0xfe: {  	[bflag:$0x0] =	sbarrier.arrive $0xFFFF  }
0xff: {  	_ =	strace $0x9000004A  }
0x100: {  	s0 =	stileid.u32;
	[bflag:$0x2] =	sbarrier.arrive $0xFFFF  }
0x101: {  	p0 =	sne.s32 s0, $0x0;
	s0 =	rddreg [dreg:$0x3]  }
0x102: {  	s0 =	sadd.s32 @!p0 $0x100000, s0  }
0x103: {  	[sflag:s0] =	ssyncadd.tile.s32 @!p0 $0x1;
	_ =	shalt  }
.Lfunc_end2:
_tile_overlayer_lowered:
.L_overlay_start_2:
0x104: {  	(tag) =	ssettag $0x2  }
0x105: {  	s0 =	rddreg [dreg:$0x0];
	s2 =	stileid.u32  }
0x106: {  	s1 =	rddreg [dreg:$0x1];
	p0 =	sne.s32 s2, $0x0  }
0x107: {  	s3 =	rddreg [dreg:$0x2];
	[bflag:$0x3] =	sbarrier.arrive $0xFFFF;
	s2 =	simm.s32 @!p0 $0x1C05  }
0x108: {  	[timem:s3], [sflag:s2] =	dma.local @!p0 [hbm:s0], s1  }
0x109: {  	s0 =	simm.s32 @!p0 $0x5  }
0x10a: {  	_ =	swait.ge @!p0 [sflag:s0], s1  }
0x10b: {  	s1 =	ssub.s32 @!p0 $0x0, s1;
	[sflag:s0] =	ssyncset.done @!p0 $0x0  }
0x10c: {  	[sflag:s0] =	ssyncadd.s32 @!p0 s1  }
0x10d: {  	[bflag:$0x3] =	sbarrier.arrive $0xFFFF  }
0x10e: {  	_ =	shalt  }

// kernel: kernel.7.cloned.1.call-start
scs
__scs_entry_jumppad:
0x0: {  	(pc) =	sbr.rel $0x88, $3  }
0x1: {  	(tag) =	ssettag $0x0;
	lr =	simm.s32 $0x1  }
0x2: {  	[smem:$0x3F97] =	sst lr;
	_ =	strace $0xD0000000  }
0x3: {  	_ = 	snop  }
0x4: {  	_ = 	snop  }
0x5: {  	_ = 	snop  }
0x6: {  	_ = 	snop  }
0x7: {  	_ = 	snop  }
__scs_overlays_trampoline_lowered:
0x8: {  	[smem:$0x3FA6] =	sst s0  }
0x9: {  	[smem:$0x3FA7] =	sst s1  }
0xa: {  	[smem:$0x3FA8] =	sst s2  }
0xb: {  	[smem:$0x3FA9] =	sst s3  }
0xc: {  	[smem:$0x3FAA] =	sst s4  }
0xd: {  	[smem:$0x3FAB] =	sst s5  }
0xe: {  	[smem:$0x3FAC] =	sst s6  }
0xf: {  	[smem:$0x3FAD] =	sst s7  }
0x10: {  	[smem:$0x3FAE] =	sst s8  }
0x11: {  	[smem:$0x3FAF] =	sst s9;
	s0 =	simm.s32 @!p0 $0x0  }
0x12: {  	s1 =	sld [smem:$0x3F95];
	s0 =	simm.s32 @p0 $0x1  }
0x13: {  	[smem:$0x3FB0] =	sst s0;
	s0 =	simm.s32 @!p1 $0x0  }
0x14: {  	s2 =	sld [smem:$0x3F94];
	s0 =	simm.s32 @p1 $0x1  }
0x15: {  	[smem:$0x3FB1] =	sst s0;
	s0 =	simm.s32 @!p2 $0x0  }
0x16: {  	s3 =	sld [smem:$0x3FDB];
	s0 =	simm.s32 @p2 $0x1  }
0x17: {  	s4 =	simm.s32 $0x1BF5;
	[smem:$0x3FB3] =	sst s0  }
0x18: {  	s0 =	sld [smem:$0x3F96];
	_ =	swait.ge [sflag:s4], $0x0  }
0x19: {  	s7 =	sld [smem:$0x3F97]  }
0x1a: {  	s8 =	sadd.s32 $0xFFFFE003, lr  }
0x1b: {  	s9 =	sadd.s32 $0xFFFFFEF7, lr;
	s5 =	simm.s32 $0xFFFFFFFF;
	p2 =	slt.u32 s8, $0xFFFFF086  }
0x1c: {  	p1 =	slt.u32 s9, $0xF7A;
	s5 =	simm.s32 @!p2 $0x0  }
0x1d: {  	s5 =	simm.s32 @p1 $0x1;
	p0 =	seq.s32 s7, s2  }
0x1e: {  	s7 =	smul.u32 @!p0 $0xF7A, s2;
	p2 =	seq.s32 @!p0 s5, $0x0  }
0x1f: {  	s9 =	smul.u32 $0xF7A, s1;
	s8 =	simm.s32 @!p0 $0x1BF5;
	p2 =	por !p2, p0  }
0x20: {  	[sflag:s8] =	ssyncset.s32 @!p0 $0xFFFFF086;
	s6 =	sadd.s32 @!p0 s3, s7;
	s7 =	simm.s32 @!p0 $0x108  }
0x21: {  	s3 =	sadd.s32 s3, s9;
	s6 =	sadd.s32 @!p0 $0x88, s6;
	s7 =	simm.s32 @p2 $0x1082  }
0x22: {  	[simem:s7], [sflag:s8] =	dma.local @!p0 [hbm:s6], $0xF7A  }
0x23: {  	s9 =	sor.u32 $0xD0000000, s2;
	s6 =	simm.s32 $0x108;
	_ =	swait.ge @!p0 [sflag:s8], $0x0  }
0x24: {  	s3 =	sadd.s32 $0x88, s3;
	s6 =	simm.s32 @!p1 $0x1082;
	[sflag:s4] =	ssyncset.s32 $0xFFFFF086  }
0x25: {  	[simem:s6], [sflag:s4] =	dma.local [hbm:s3], $0xF7A  }
0x26: {  	[smem:$0x3F97] =	sst s1;
	(tag) =	ssettag s2;
	_ =	strace s9  }
0x27: {  	s1 =	sld [smem:$0x3FA7]  }
0x28: {  	s2 =	sld [smem:$0x3FA8]  }
0x29: {  	s4 =	sld [smem:$0x3FAA]  }
0x2a: {  	p0 =	seq.s32 s5, $0x0;
	s5 =	sld [smem:$0x3FAB]  }
0x2b: {  	s6 =	sld [smem:$0x3FAC]  }
0x2c: {  	s7 =	sld [smem:$0x3FAD]  }
0x2d: {  	s3 =	simm.s32 $0x108;
	s8 =	sld [smem:$0x3FAE]  }
0x2e: {  	s3 =	simm.s32 @!p0 $0x1082;
	s9 =	sld [smem:$0x3FAF]  }
0x2f: {  	lr =	sadd.s32 s0, s3;
	s0 =	sld [smem:$0x3FA6]  }
0x30: {  	s3 =	sld [smem:$0x3FA9]  }
0x31: {  	[smem:$0x3FB2] =	sst s10  }
0x32: {  	s10 =	sld [smem:$0x3FB0];
	_ =	sdelay $0x3  }
0x33: {  	p0 =	seq.s32 s10, $0x1;
	s10 =	sld [smem:$0x3FB2];
	_ =	sdelay $0x3  }
0x34: {  	[smem:$0x3FB2] =	sst s10  }
0x35: {  	s10 =	sld [smem:$0x3FB1];
	_ =	sdelay $0x3  }
0x36: {  	p1 =	seq.s32 s10, $0x1;
	s10 =	sld [smem:$0x3FB2];
	_ =	sdelay $0x3  }
0x37: {  	[smem:$0x3FB2] =	sst s10  }
0x38: {  	s10 =	sld [smem:$0x3FB3]  }
0x39: {  	_ = 	snop;
	(pc) =	sbr.ind lr, $3  }
0x3a: {  	_ = 	snop  }
0x3b: {  	_ = 	snop  }
0x3c: {  	p2 =	seq.s32 s10, $0x1;
	s10 =	sld [smem:$0x3FB2]  }
0x3d: {  	_ =	shalt  }
0x3e: {  	_ =	shalt  }
0x3f: {  	_ =	shalt  }
0x40: {  	_ =	shalt  }
0x41: {  	_ =	shalt  }
0x42: {  	_ =	shalt  }
0x43: {  	_ =	shalt  }
0x44: {  	_ =	shalt  }
0x45: {  	_ =	shalt  }
0x46: {  	_ =	shalt  }
0x47: {  	_ =	shalt  }
0x48: {  	_ =	shalt  }
0x49: {  	_ =	shalt  }
0x4a: {  	_ =	shalt  }
0x4b: {  	_ =	shalt  }
0x4c: {  	_ =	shalt  }
0x4d: {  	_ =	shalt  }
0x4e: {  	_ =	shalt  }
0x4f: {  	_ =	shalt  }
0x50: {  	_ =	shalt  }
0x51: {  	_ =	shalt  }
0x52: {  	_ =	shalt  }
0x53: {  	_ =	shalt  }
0x54: {  	_ =	shalt  }
0x55: {  	_ =	shalt  }
0x56: {  	_ =	shalt  }
0x57: {  	_ =	shalt  }
0x58: {  	_ =	shalt  }
0x59: {  	_ =	shalt  }
0x5a: {  	_ =	shalt  }
0x5b: {  	_ =	shalt  }
0x5c: {  	_ =	shalt  }
0x5d: {  	_ =	shalt  }
0x5e: {  	_ =	shalt  }
0x5f: {  	_ =	shalt  }
0x60: {  	_ =	shalt  }
0x61: {  	_ =	shalt  }
0x62: {  	_ =	shalt  }
0x63: {  	_ =	shalt  }
0x64: {  	_ =	shalt  }
0x65: {  	_ =	shalt  }
0x66: {  	_ =	shalt  }
0x67: {  	_ =	shalt  }
0x68: {  	_ =	shalt  }
0x69: {  	_ =	shalt  }
0x6a: {  	_ =	shalt  }
0x6b: {  	_ =	shalt  }
0x6c: {  	_ =	shalt  }
0x6d: {  	_ =	shalt  }
0x6e: {  	_ =	shalt  }
0x6f: {  	_ =	shalt  }
0x70: {  	_ =	shalt  }
0x71: {  	_ =	shalt  }
0x72: {  	_ =	shalt  }
0x73: {  	_ =	shalt  }
0x74: {  	_ =	shalt  }
0x75: {  	_ =	shalt  }
0x76: {  	_ =	shalt  }
0x77: {  	_ =	shalt  }
0x78: {  	_ =	shalt  }
0x79: {  	_ =	shalt  }
0x7a: {  	_ =	shalt  }
0x7b: {  	_ =	shalt  }
0x7c: {  	_ =	shalt  }
0x7d: {  	_ =	shalt  }
0x7e: {  	_ =	shalt  }
0x7f: {  	_ =	shalt  }
0x80: {  	_ =	shalt  }
0x81: {  	_ =	shalt  }
0x82: {  	_ =	shalt  }
0x83: {  	_ =	shalt  }
0x84: {  	_ =	shalt  }
0x85: {  	_ =	shalt  }
0x86: {  	_ =	shalt  }
0x87: {  	_ =	shalt  }
.Lfunc_end0:
.L_simem_size_0:
called_computation_lowered:
.L_overlay_start_0:
0x88: {  	s2 =	sld [smem:$0x3FD9]  }
0x89: {  	s3 =	sld [smem:$0x3FFE];
	_ =	sdelay $0x1  }
0x8a: {  	s1 =	srdreg.scid  }
0x8b: {  	s0 =	sand.u32 $0x1, s1  }
0x8c: {  	s17 =	sshll.u32 s0, $0xA;
	s2 =	sadd.s32 s3, s2  }
0x8d: {  	s2 =	sadd.s32 s2, s17  }
0x8e: {  	[smem:$0x3FBE] =	sst s2  }
0x8f: {  	_ = 	snop  }
0x90: {  	s2 =	sld [smem:$0x3FD0];
	(tm) =	ssettm $0x1  }
0x91: {  	s18 =	sld [smem:$0x3FFB];
	_ =	sdelay $0x3  }
0x92: {  	_ =	strace s18  }
0x93: {  	s3 =	sld [smem:$0x3FFC];
	_ =	sdelay $0x3  }
0x94: {  	_ =	strace s3  }
0x95: {  	s3 =	sld [smem:$0x3FFD];
	_ =	sdelay $0x3  }
0x96: {  	_ =	strace s3  }
0x97: {  	_ =	strace $0x8FFFFFFF  }
0x98: {  	s19 =	sld [smem:$0x3FDB];
	_ =	sdelay $0x1  }
0x99: {  	s4 =	simm.s32 $_scs_section_size  }
0x9a: {  	s5 =	simm.s32 $_size__tile_overlayer_lowered;
	s6 =	simm.s32 $_tile_overlayer_lowered  }
0x9b: {  	s22 =	simm.s32 $0x1BFF;
	s21 =	sshll.u32 s6, $0x1;
	s3 =	sadd.s32 s4, s19  }
0x9c: {  	s7 =	simm.s32 $0x0;
	s20 =	sshll.u32 s5, $0x1;
	s5 =	sadd.s32 s21, s3  }
0x9d: {  	[timem:s7], [sflag:s22] =	dma.local [hbm:s5], s20  }
0x9e: {  	_ =	swait.ge [sflag:s22], s20  }
0x9f: {  	s4 =	ssub.s32 $0x0, s20;
	[sflag:s22] =	ssyncset.done $0x0  }
0xa0: {  	[sflag:s22] =	ssyncadd.s32 s4;
	_ =	sdelay $0x1  }
0xa1: {  	s23 =	simm.s32 $0x1B8B  }
0xa2: {  	_ =	swait.ge [sflag:s23], $0x1  }
0xa3: {  	[sflag:s23] =	ssyncset.done $0x0  }
0xa4: {  	s25 =	simm.s32 $0x1B8E;
	s24 =	sld [smem:$0x3FFE];
	[sflag:s23] =	ssyncadd.s32 $0xFFFFFFFF  }
0xa5: {  	s26 =	simm.s32 $execute0_lowered;
	[smem:$0x3FD2] =	sst s25  }
0xa6: {  	s5 =	sshll.u32 s26, $0x1;
	_ =	strace $0x80000046;
	[dreg:$0x1] =	wrdreg $0xFFFFFFFF  }
0xa7: {  	s28 =	simm.s32 $_size_execute0_lowered;
	s3 =	sadd.s32 s3, s5;
	[dreg:$0x0] =	wrdreg $0x0  }
0xa8: {  	s5 =	sshll.u32 s28, $0x1;
	[dreg:$0x2] =	wrdreg s3  }
0xa9: {  	[dreg:$0x3] =	wrdreg s5  }
0xaa: {  	[dreg:$0x4] =	wrdreg $0xC0  }
0xab: {  	_ =	task [dreg:s7], $0x5FFFF  }
0xac: {  	[dreg:$0x1] =	wrdreg $0xFFFFFFFF  }
0xad: {  	[dreg:$0x0] =	wrdreg $0x60  }
0xae: {  	[dreg:$0x2] =	wrdreg s24  }
0xaf: {  	[dreg:$0x3] =	wrdreg s2  }
0xb0: {  	[dreg:$0x4] =	wrdreg $0x82800  }
0xb1: {  	[dreg:$0x5] =	wrdreg $0x9  }
0xb2: {  	_ =	task.clear_ibuf [dreg:s7], $0x6FFFF;
	_ =	strace $0x90000046  }
0xb3: {  	s29 =	simm.s32 $0x9;
	_ =	strace $0x80000048  }
0xb4: {  	_ =	swait.ge [sflag:s29], $0x1  }
0xb5: {  	[sflag:s29] =	ssyncadd.s32 $0xFFFFFFFF  }
0xb6: {  	_ =	strace $0x90000048  }
0xb7: {  	_ =	sfence  }
0xb8: {  	s30 =	sld [smem:$0x0];
	_ =	sdelay $0x2  }
0xb9: {  	s31 =	sshll.u32 s1, $0xD;
	s1 =	sshrl.u32 s1, $0x2  }
0xba: {  	s3 =	sand.u32 $0x4000, s31;
	s1 =	sadd.s32 s1, s30  }
0xbb: {  	s0 =	sor.u32 s3, s0;
	s1 =	sshll.u32 s1, $0x11  }
0xbc: {  	s0 =	sor.u32 s1, s0  }
0xbd: {  	s0 =	sadd.s32 $0x8F2B, s0  }
0xbe: {  	[sflag:s0] =	ssyncadd.remote.s32 $0x1  }
0xbf: {  	_ =	sfence.sel $0xFFFF  }
0xc0: {  	[dreg:$0x0] =	wrdreg $0xFFFFFFFF;
	(pc) =	sbr.abs _section_cstart, $3  }
0xc1: {  	[dreg:$0x1] =	wrdreg $0xFFFFFFFF  }
0xc2: {  	_ =	task.clear_ibuf [dreg:s7], $0x2FFFF;
	_ =	strace $0x9FFFFFFF  }
0xc3: {  	(tm) =	ssettm $0x7FFFFFFF  }
tec
execute0_lowered:
.L_overlay_start_1:
0x0: {  	(tag) =	ssettag $0x1  }
0x1: {  	s0 =	rddreg [dreg:$0x0]  }
0x2: {  	s1 =	rddreg [dreg:$0x1]  }
0x3: {  	s2 =	rddreg [dreg:$0x2];
	s3 =	srdreg.scid;
	s4 =	simm.s32 $0x0  }
0x4: {  	s12 =	stileid.u32;
	s17 =	simm.s32 $0x5;
	s19 =	simm.s32 $0x80  }
0x5: {  	s20 =	simm.s32 $0x200;
	s28 =	simm.s32 $0x180;
	s29 =	simm.s32 $0x4  }
0x6: {  	s30 =	simm.s32 $0x0;
	s3 =	sand.u32 $0x1, s3;
	[smem:$0x7FF] =	sst s4  }
0x7: {  	s8 =	smul.u32 $0x13C00, s12;
	s5 =	sadd.s32 $0x4F600, s0;
	s6 =	sadd.s32 $0x400, s0  }
0x8: {  	s9 =	sadd.s32 $0x4F400, s0;
	s21 =	sadd.s32 $0x63A00, s0;
	s11 =	smul.u32 $0x4F000, s12  }
0x9: {  	s23 =	sshll.u32 s12, $0x1;
	s7 =	smul.u32 $0x13C000, s3;
	_ =	strace $0x80000047  }
0xa: {  	[dreg:$0x4] =	wrdreg s9;
	s22 =	ssub.s32 $0x2, s3;
	s3 =	sor.u32 s3, s23  }
0xb: {  	s26 =	sshll.u32 s12, $0x6;
	[dreg:$0x5] =	wrdreg s21;
	s9 =	smul.u32 $0xA2, s3  }
0xc: {  	s21 =	simm.s32 $0x1;
	s23 =	simm.s32 $0x100;
	s31 =	smul.u32 $0xA20, s3  }
0xd: {  	s10 =	sshrl.u32 s22, $0x1;
	s25 =	sshrl.u32 s11, $0x2;
	s11 =	smul.u32 $0x2880, s3  }
0xe: {  	s7 =	sadd.s32 s8, s7;
	s24 =	ssub.s32 s22, s10;
	s8 =	sadd.s32 s25, s2  }
0xf: {  	s10 =	sor.u32 $0x1C05, s26;
	s22 =	simm.s32 $0x4200;
	s25 =	simm.s32 $0x2  }
0x10: {  	s26 =	simm.s32 $0x3;
	s7 =	sshrl.u32 s7, $0x3;
	s12 =	sadd.s32 s5, s31  }
0x11: {  	s13 =	sadd.s32 $0x2, s9;
	s15 =	smax.u32 s24, $0x1;
	s0 =	sadd.s32 s7, s0  }
0x12: {  	s16 =	sshrl.u32 s8, $0x3;
	s24 =	simm.s32 $0x40;
	s14 =	sadd.s32 $0x66200, s0  }
.LBB2_1:
0x13: {  	s0 =	rddreg [dreg:$0x5]  }
0x14: {  	[spmem:s16], [sflag:s10] =	dma.local [hbm:s0], $0x2780  }
0x15: {  	_ =	swait.ge [sflag:s17], $0x2780  }
0x16: {  	[sflag:s17] =	ssyncset.done $0x0  }
0x17: {  	s3 =	simm.s32 $0x8200;
	s18 =	rddreg [dreg:$0x4];
	[sflag:s17] =	ssyncadd.s32 $0xFFFFD880  }
0x18: {  	[tilespmem:s3], [sflag:$0x5] =	stream.linear.gather [hbm4b:s18+s4], $0x80, $0x38;
	[tilespmem:$0x1BE80] =	vst v63  }
0x19: {  	_ =	swait.ge [sflag:s17], $0x80  }
0x1a: {  	[sflag:s17] =	ssyncset.done $0x0  }
0x1b: {  	[sflag:s17] =	ssyncadd.s32 $0xFFFFFF80  }
0x1c: {  	[bflag:$0x0] =	sbarrier.arrive $0xFFFF  }
0x1d: {  	v0 =	vld [tilespmem:$0x8200]  }
0x1e: {  	v1 =	vld [tilespmem:$0x8210]  }
0x1f: {  	v2 =	vld [tilespmem:$0x8220]  }
0x20: {  	v3 =	vld [tilespmem:$0x8230];
	[tilespmem:s4], [sflag:$0x5] =	stream.linear.gather [hbm4b:s12+s4], $0x80, $0x38  }
0x21: {  	_ =	swait.ge [sflag:s17], $0x80  }
0x22: {  	[sflag:s17] =	ssyncset.done $0x0  }
0x23: {  	s31 =	simm.s32 $0x0;
	[sflag:s17] =	ssyncadd.s32 $0xFFFFFF80  }
0x24: {  	[tilespmem:s20], [sflag:$0x1] =	stream.indirect.gather [hbm4b:s6+s19], $0x80, s4, s19, $0xb8;
	[tilespmem:$0x1BE80] =	vst v63  }
.LBB2_2:
0x25: {  	s3 =	sshll.u32 s31, $0x1;
	_ =	swait.ge [sflag:s21], $0x4000  }
0x26: {  	p0 =	seq.s32 s31, $0x0;
	[sflag:s21] =	ssyncset.done $0x0;
	s0 =	sor.u32 $0x1, s3  }
0x27: {  	s7 =	simm.s32 @!p0 $0x4;
	[sflag:s21] =	ssyncadd.s32 $0xFFFFC000;
	s8 =	sadd.s32 s9, s0  }
0x28: {  	_ =	swait.ge @!p0 [sflag:s7], $0x400;
	s8 =	sshll.u32 s8, $0x4  }
0x29: {  	[sflag:s7] =	ssyncset.done @!p0 $0x0;
	s8 =	sand.u32 $0x1FFFFFF0, s8  }
0x2a: {  	[sflag:s7] =	ssyncadd.s32 @!p0 $0xFFFFFC00;
	s18 =	sadd.s32 s5, s8;
	s8 =	simm.s32 $0x0  }
0x2b: {  	[tilespmem:s19], [sflag:$0x5] =	stream.linear.gather [hbm4b:s18+s8], $0x80, $0x38;
	[tilespmem:$0x1BE80] =	vst v63  }
0x2c: {  	s18 =	sshll.u32 s31, $0x7;
	_ =	swait.ge [sflag:s17], $0x80  }
0x2d: {  	s7 =	sadd.s32 s11, s18;
	[sflag:s17] =	ssyncset.done $0x0  }
0x2e: {  	s7 =	sshrl.u32 s7, $0x3;
	[sflag:s17] =	ssyncadd.s32 $0xFFFFFF80  }
0x2f: {  	[tilespmem:s22], [sflag:$0x2] =	stream.indirect.gather [hbm4b:s6+s19], $0x80, s19, s19, $0xb8;
	[tilespmem:$0x1BE80] =	vst v63  }
0x30: {  	s7 =	sadd.s32 s1, s7  }
0x31: {  	[tilespmem:s23], [sflag:$0x5] =	stream.linear.gather [hbm4b:s7+s8], $0x40, $0x38;
	[tilespmem:$0x1BE80] =	vst v63  }
0x32: {  	_ =	swait.ge [sflag:s17], $0x40  }
0x33: {  	[sflag:s17] =	ssyncset.done $0x0  }
0x34: {  	s18 =	simm.s32 $0x0;
	[sflag:s17] =	ssyncadd.s32 $0xFFFFFFC0  }
0x35: {  	v4 =	vld [tilespmem:s18+$0x2200]  }
0x36: {  	v5 =	vld [tilespmem:s18+$0x2210]  }
0x37: {  	v6 =	vld [tilespmem:s18+$0x240]  }
0x38: {  	v7 =	vld [tilespmem:s18+$0x2220]  }
0x39: {  	v8 =	vld [tilespmem:s18+$0x250]  }
0x3a: {  	v9 =	vld [tilespmem:s18+$0x260];
	_ =	sdelay $0x2  }
0x3b: {  	v4 =	vadd.f32 v4, v6  }
0x3c: {  	v5 =	vadd.f32 v5, v8  }
0x3d: {  	v7 =	vadd.f32 v7, v9;
	v6 =	vmul.f32 $2.000000030e-01, v4  }
0x3e: {  	v10 =	vld [tilespmem:s18+$0x270];
	v8 =	vmul.f32 $2.000000030e-01, v5  }
0x3f: {  	v9 =	vmul.f32 $2.000000030e-01, v7;
	v4 =	vmax.f32 v4, v6;
	v6 =	vld [tilespmem:s18+$0x2230]  }
0x40: {  	v5 =	vmax.f32 v5, v8;
	v4 =	vsub.f32 v4, v0  }
0x41: {  	v7 =	vmax.f32 v7, v9;
	v5 =	vsub.f32 v5, v1  }
0x42: {  	v7 =	vsub.f32 v7, v2;
	v4 =	vmul.f32 $1.442695020e+00, v4  }
0x43: {  	v5 =	vmul.f32 $1.442695020e+00, v5  }
0x44: {  	v7 =	vmul.f32 $1.442695020e+00, v7;
	(erf) = vpow2.f32 v4;
	v6 =	vadd.f32 v6, v10  }
0x45: {  	(erf) = vpow2.f32 v5  }
0x46: {  	(erf) = vpow2.f32 v7;
	v7 =	vmul.f32 $2.000000030e-01, v6;
	_ =	sdelay $0x1  }
0x47: {  	v6 =	vmax.f32 v6, v7  }
0x48: {  	v6 =	vsub.f32 v6, v3;
	_ =	sdelay $0x1  }
0x49: {  	v6 =	vmul.f32 $1.442695020e+00, v6;
	_ =	sdelay $0x1  }
0x4a: {  	v13 =	vld [tilespmem:s18+$0x210];
	v14 =	vpop (erf);
	(erf) = vpow2.f32 v6  }
0x4b: {  	v11 =	vld [tilespmem:s18+$0x220]  }
0x4c: {  	s7 =	simm.s32 $0x80;
	v9 =	vld [tilespmem:s18+$0x200]  }
0x4d: {  	v8 =	vld [tilespmem:s7+$0x2220]  }
0x4e: {  	v4 =	vld [tilespmem:s7+$0x2200]  }
0x4f: {  	v7 =	vld [tilespmem:s18+$0x230]  }
0x50: {  	v10 =	vld [tilespmem:s7+$0x2230]  }
0x51: {  	v5 =	vld [tilespmem:s7+$0x2210];
	[tilespmem:s18+$0x240] =	vst v14;
	v15 =	vpop (erf)  }
0x52: {  	s8 =	simm.s32 $0x400;
	v6 =	vmul.f32 v14, v9;
	v12 =	vld [tilespmem:s7+$0x240];
	v9 =	vmul.f32 v15, v13;
	[tilespmem:s18+$0x250] =	vst v15;
	v13 =	vpop (erf)  }
.LBB2_3:
0x53: {  	p0 =	sne.s32 s8, $0x7E00;
	v14 =	vld [tilespmem:s7+$0x250];
	v11 =	vmul.f32 v13, v11;
	[tilespmem:s18+$0x260] =	vst v13;
	v13 =	vpop (erf)  }
0x54: {  	v15 =	vld [tilespmem:s7+$0x260];
	v7 =	vmul.f32 v13, v7;
	[tilespmem:s18+$0x270] =	vst v13  }
0x55: {  	v13 =	vld [tilespmem:s7+$0x270];
	[tilespmem:s18+$0x220] =	vst v11  }
0x56: {  	[tilespmem:s18+$0x230] =	vst v7  }
0x57: {  	v4 =	vadd.f32 v4, v12;
	[tilespmem:s18+$0x210] =	vst v9  }
0x58: {  	v5 =	vadd.f32 v5, v14;
	[tilespmem:s18+$0x200] =	vst v6;
	s18 =	smov.u32 s7  }
0x59: {  	v6 =	vmul.f32 $2.000000030e-01, v4;
	v7 =	vadd.f32 v8, v15  }
0x5a: {  	v8 =	vmul.f32 $2.000000030e-01, v5;
	v9 =	vadd.f32 v10, v13  }
0x5b: {  	v4 =	vmax.f32 v4, v6;
	v6 =	vmul.f32 $2.000000030e-01, v7  }
0x5c: {  	v4 =	vsub.f32 v4, v0;
	v5 =	vmax.f32 v5, v8;
	v8 =	vmul.f32 $2.000000030e-01, v9  }
0x5d: {  	v5 =	vsub.f32 v5, v1;
	v6 =	vmax.f32 v7, v6  }
0x5e: {  	v4 =	vmul.f32 $1.442695020e+00, v4;
	v6 =	vsub.f32 v6, v2;
	v7 =	vmax.f32 v9, v8  }
0x5f: {  	v5 =	vmul.f32 $1.442695020e+00, v5;
	v7 =	vsub.f32 v7, v3  }
0x60: {  	v6 =	vmul.f32 $1.442695020e+00, v6;
	(erf) = vpow2.f32 v4  }
0x61: {  	v7 =	vmul.f32 $1.442695020e+00, v7;
	(erf) = vpow2.f32 v5  }
0x62: {  	s7 =	sshra.s32 s8, $0x2;
	(erf) = vpow2.f32 v6  }
0x63: {  	v4 =	vld [tilespmem:s7+$0x2200];
	(erf) = vpow2.f32 v7  }
0x64: {  	v5 =	vld [tilespmem:s7+$0x2210]  }
0x65: {  	v6 =	vld [tilespmem:s18+$0x200]  }
0x66: {  	v9 =	vld [tilespmem:s18+$0x210]  }
.Ltmp0:
0x67: {  	v11 =	vld [tilespmem:s18+$0x220];
	(pc) =	sbr.rel @p0 .LBB2_3-.Ltmp0, $4  }
0x68: {  	v7 =	vld [tilespmem:s18+$0x230]  }
0x69: {  	v8 =	vld [tilespmem:s7+$0x2220];
	v12 =	vpop (erf)  }
0x6a: {  	v10 =	vld [tilespmem:s7+$0x2230];
	v6 =	vmul.f32 v12, v6;
	[tilespmem:s18+$0x240] =	vst v12;
	v13 =	vpop (erf)  }
0x6b: {  	s8 =	sadd.s32 $0x200, s8;
	v12 =	vld [tilespmem:s7+$0x240];
	v9 =	vmul.f32 v13, v9;
	[tilespmem:s18+$0x250] =	vst v13;
	v13 =	vpop (erf)  }
0x6c: {  	v14 =	vld [tilespmem:s7+$0x250];
	[tilespmem:s18+$0x260] =	vst v13  }
0x6d: {  	v15 =	vpop (erf);
	v16 =	vld [tilespmem:s7+$0x260]  }
0x6e: {  	[tilespmem:s18+$0x270] =	vst v15  }
0x6f: {  	v17 =	vld [tilespmem:s7+$0x270]  }
0x70: {  	v4 =	vadd.f32 v4, v12  }
0x71: {  	v5 =	vadd.f32 v5, v14  }
0x72: {  	v8 =	vadd.f32 v8, v16;
	v12 =	vmul.f32 $2.000000030e-01, v4  }
0x73: {  	v14 =	vmul.f32 $2.000000030e-01, v5  }
0x74: {  	v10 =	vadd.f32 v10, v17;
	v4 =	vmax.f32 v4, v12;
	v12 =	vmul.f32 $2.000000030e-01, v8  }
0x75: {  	v4 =	vsub.f32 v4, v0;
	v5 =	vmax.f32 v5, v14  }
0x76: {  	v14 =	vmul.f32 $2.000000030e-01, v10;
	v5 =	vsub.f32 v5, v1;
	v8 =	vmax.f32 v8, v12  }
0x77: {  	v4 =	vmul.f32 $1.442695020e+00, v4;
	v8 =	vsub.f32 v8, v2  }
0x78: {  	v11 =	vmul.f32 v13, v11;
	v10 =	vmax.f32 v10, v14;
	v5 =	vmul.f32 $1.442695020e+00, v5  }
0x79: {  	v10 =	vsub.f32 v10, v3;
	v8 =	vmul.f32 $1.442695020e+00, v8;
	(erf) = vpow2.f32 v4  }
0x7a: {  	(erf) = vpow2.f32 v5  }
0x7b: {  	[tilespmem:s18+$0x220] =	vst v11;
	v4 =	vmul.f32 $1.442695020e+00, v10;
	(erf) = vpow2.f32 v8  }
0x7c: {  	v7 =	vmul.f32 v15, v7;
	[tilespmem:s18+$0x210] =	vst v9  }
0x7d: {  	[tilespmem:s18+$0x200] =	vst v6;
	(erf) = vpow2.f32 v4  }
0x7e: {  	[tilespmem:s18+$0x230] =	vst v7  }
0x7f: {  	v4 =	vld [tilespmem:s7+$0x200]  }
0x80: {  	v7 =	vld [tilespmem:s7+$0x210]  }
0x81: {  	v5 =	vld [tilespmem:s7+$0x220]  }
0x82: {  	v8 =	vpop (erf)  }
0x83: {  	v6 =	vld [tilespmem:s7+$0x230];
	[tilespmem:s7+$0x240] =	vst v8;
	v9 =	vpop (erf)  }
0x84: {  	v4 =	vmul.f32 v8, v4;
	[tilespmem:s7+$0x250] =	vst v9;
	v10 =	vpop (erf)  }
0x85: {  	[tilespmem:s7+$0x260] =	vst v10  }
0x86: {  	v7 =	vmul.f32 v9, v7;
	v5 =	vmul.f32 v10, v5;
	v10 =	vpop (erf);
	[tilespmem:s7+$0x200] =	vst v4  }
0x87: {  	[tilespmem:s7+$0x270] =	vst v10  }
0x88: {  	v6 =	vmul.f32 v10, v6;
	[tilespmem:s7+$0x210] =	vst v7  }
0x89: {  	[tilespmem:s7+$0x220] =	vst v5  }
0x8a: {  	[tilespmem:s7+$0x230] =	vst v6  }
0x8b: {  	[spmem:s2] =	stream.indirect.scatter.add.f32 [tilespmem:s20], [sflag:$0x3], $0x80, s23, s24, $0xb8;
	[tilespmem:$0x1BE80] =	vst v63  }
0x8c: {  	_ =	swait.ge [sflag:s25], $0x4000  }
0x8d: {  	[sflag:s25] =	ssyncset.done $0x0  }
0x8e: {  	s3 =	smin.u32 s3, $0x9F;
	[sflag:s25] =	ssyncadd.s32 $0xFFFFC000  }
0x8f: {  	s3 =	sadd.s32 s3, s13;
	_ =	swait.ge [sflag:s26], $0x400  }
0x90: {  	s3 =	sshll.u32 s3, $0x4;
	[sflag:s26] =	ssyncset.done $0x0  }
0x91: {  	s3 =	sadd.s32 s5, s3;
	s18 =	simm.s32 $0x0;
	[sflag:s26] =	ssyncadd.s32 $0xFFFFFC00  }
0x92: {  	[tilespmem:s18], [sflag:$0x5] =	stream.linear.gather [hbm4b:s3+s18], $0x80, $0x38;
	[tilespmem:$0x1BE80] =	vst v63  }
0x93: {  	s0 =	sshll.u32 s0, $0x6;
	_ =	swait.ge [sflag:s17], $0x80  }
0x94: {  	s0 =	sadd.s32 s11, s0;
	[sflag:s17] =	ssyncset.done $0x0  }
0x95: {  	s0 =	sshrl.u32 s0, $0x3;
	[sflag:s17] =	ssyncadd.s32 $0xFFFFFF80  }
0x96: {  	[tilespmem:s20], [sflag:$0x1] =	stream.indirect.gather [hbm4b:s6+s19], $0x80, s18, s19, $0xb8;
	[tilespmem:$0x1BE80] =	vst v63  }
0x97: {  	s0 =	sadd.s32 s1, s0  }
0x98: {  	[tilespmem:s28], [sflag:$0x5] =	stream.linear.gather [hbm4b:s0+s18], $0x40, $0x38;
	[tilespmem:$0x1BE80] =	vst v63  }
0x99: {  	_ =	swait.ge [sflag:s17], $0x40  }
0x9a: {  	[sflag:s17] =	ssyncset.done $0x0  }
0x9b: {  	s0 =	simm.s32 $0x0;
	[sflag:s17] =	ssyncadd.s32 $0xFFFFFFC0  }
0x9c: {  	v4 =	vld [tilespmem:s0+$0x6200]  }
0x9d: {  	v5 =	vld [tilespmem:s0+$0x6210]  }
0x9e: {  	v6 =	vld [tilespmem:s0+$0x4240]  }
0x9f: {  	v7 =	vld [tilespmem:s0+$0x6220]  }
0xa0: {  	v8 =	vld [tilespmem:s0+$0x4250]  }
0xa1: {  	v9 =	vld [tilespmem:s0+$0x4260];
	_ =	sdelay $0x2  }
0xa2: {  	v4 =	vadd.f32 v4, v6  }
0xa3: {  	v5 =	vadd.f32 v5, v8  }
0xa4: {  	v7 =	vadd.f32 v7, v9;
	v6 =	vmul.f32 $2.000000030e-01, v4  }
0xa5: {  	v10 =	vld [tilespmem:s0+$0x4270];
	v8 =	vmul.f32 $2.000000030e-01, v5  }
0xa6: {  	v9 =	vmul.f32 $2.000000030e-01, v7;
	v4 =	vmax.f32 v4, v6;
	v6 =	vld [tilespmem:s0+$0x6230]  }
0xa7: {  	v5 =	vmax.f32 v5, v8;
	v4 =	vsub.f32 v4, v0  }
0xa8: {  	v7 =	vmax.f32 v7, v9;
	v5 =	vsub.f32 v5, v1  }
0xa9: {  	v7 =	vsub.f32 v7, v2;
	v4 =	vmul.f32 $1.442695020e+00, v4  }
0xaa: {  	v5 =	vmul.f32 $1.442695020e+00, v5  }
0xab: {  	v7 =	vmul.f32 $1.442695020e+00, v7;
	(erf) = vpow2.f32 v4;
	v6 =	vadd.f32 v6, v10  }
0xac: {  	(erf) = vpow2.f32 v5  }
0xad: {  	(erf) = vpow2.f32 v7;
	v7 =	vmul.f32 $2.000000030e-01, v6;
	_ =	sdelay $0x1  }
0xae: {  	v6 =	vmax.f32 v6, v7  }
0xaf: {  	v6 =	vsub.f32 v6, v3;
	_ =	sdelay $0x1  }
0xb0: {  	v6 =	vmul.f32 $1.442695020e+00, v6;
	_ =	sdelay $0x1  }
0xb1: {  	v13 =	vld [tilespmem:s0+$0x4210];
	v14 =	vpop (erf);
	(erf) = vpow2.f32 v6  }
0xb2: {  	v11 =	vld [tilespmem:s0+$0x4220]  }
0xb3: {  	s3 =	simm.s32 $0x80;
	v9 =	vld [tilespmem:s0+$0x4200]  }
0xb4: {  	v8 =	vld [tilespmem:s3+$0x6220]  }
0xb5: {  	v4 =	vld [tilespmem:s3+$0x6200]  }
0xb6: {  	v7 =	vld [tilespmem:s0+$0x4230]  }
0xb7: {  	v10 =	vld [tilespmem:s3+$0x6230]  }
0xb8: {  	v5 =	vld [tilespmem:s3+$0x6210];
	[tilespmem:s0+$0x4240] =	vst v14;
	v15 =	vpop (erf)  }
0xb9: {  	s7 =	simm.s32 $0x400;
	v6 =	vmul.f32 v14, v9;
	v12 =	vld [tilespmem:s3+$0x4240];
	v9 =	vmul.f32 v15, v13;
	[tilespmem:s0+$0x4250] =	vst v15;
	v13 =	vpop (erf)  }
.LBB2_5:
0xba: {  	p0 =	sne.s32 s7, $0x7E00;
	v14 =	vld [tilespmem:s3+$0x4250];
	v11 =	vmul.f32 v13, v11;
	[tilespmem:s0+$0x4260] =	vst v13;
	v13 =	vpop (erf)  }
0xbb: {  	v15 =	vld [tilespmem:s3+$0x4260];
	v7 =	vmul.f32 v13, v7;
	[tilespmem:s0+$0x4270] =	vst v13  }
0xbc: {  	v13 =	vld [tilespmem:s3+$0x4270];
	[tilespmem:s0+$0x4220] =	vst v11  }
0xbd: {  	[tilespmem:s0+$0x4230] =	vst v7  }
0xbe: {  	v4 =	vadd.f32 v4, v12;
	[tilespmem:s0+$0x4210] =	vst v9  }
0xbf: {  	v5 =	vadd.f32 v5, v14;
	[tilespmem:s0+$0x4200] =	vst v6;
	s0 =	smov.u32 s3  }
0xc0: {  	v6 =	vmul.f32 $2.000000030e-01, v4;
	v7 =	vadd.f32 v8, v15  }
0xc1: {  	v8 =	vmul.f32 $2.000000030e-01, v5;
	v9 =	vadd.f32 v10, v13  }
0xc2: {  	v4 =	vmax.f32 v4, v6;
	v6 =	vmul.f32 $2.000000030e-01, v7  }
0xc3: {  	v4 =	vsub.f32 v4, v0;
	v5 =	vmax.f32 v5, v8;
	v8 =	vmul.f32 $2.000000030e-01, v9  }
0xc4: {  	v5 =	vsub.f32 v5, v1;
	v6 =	vmax.f32 v7, v6  }
0xc5: {  	v4 =	vmul.f32 $1.442695020e+00, v4;
	v6 =	vsub.f32 v6, v2;
	v7 =	vmax.f32 v9, v8  }
0xc6: {  	v5 =	vmul.f32 $1.442695020e+00, v5;
	v7 =	vsub.f32 v7, v3  }
0xc7: {  	v6 =	vmul.f32 $1.442695020e+00, v6;
	(erf) = vpow2.f32 v4  }
0xc8: {  	v7 =	vmul.f32 $1.442695020e+00, v7;
	(erf) = vpow2.f32 v5  }
0xc9: {  	s3 =	sshra.s32 s7, $0x2;
	(erf) = vpow2.f32 v6  }
0xca: {  	v4 =	vld [tilespmem:s3+$0x6200];
	(erf) = vpow2.f32 v7  }
0xcb: {  	v5 =	vld [tilespmem:s3+$0x6210]  }
0xcc: {  	v6 =	vld [tilespmem:s0+$0x4200]  }
0xcd: {  	v9 =	vld [tilespmem:s0+$0x4210]  }
.Ltmp1:
0xce: {  	v11 =	vld [tilespmem:s0+$0x4220];
	(pc) =	sbr.rel @p0 .LBB2_5-.Ltmp1, $4  }
0xcf: {  	v7 =	vld [tilespmem:s0+$0x4230]  }
0xd0: {  	v8 =	vld [tilespmem:s3+$0x6220];
	v12 =	vpop (erf)  }
0xd1: {  	v10 =	vld [tilespmem:s3+$0x6230];
	v6 =	vmul.f32 v12, v6;
	[tilespmem:s0+$0x4240] =	vst v12;
	v13 =	vpop (erf)  }
0xd2: {  	s7 =	sadd.s32 $0x200, s7;
	v12 =	vld [tilespmem:s3+$0x4240];
	v9 =	vmul.f32 v13, v9;
	[tilespmem:s0+$0x4250] =	vst v13;
	v13 =	vpop (erf)  }
0xd3: {  	v14 =	vld [tilespmem:s3+$0x4250];
	[tilespmem:s0+$0x4260] =	vst v13  }
0xd4: {  	v15 =	vpop (erf);
	v16 =	vld [tilespmem:s3+$0x4260]  }
0xd5: {  	[tilespmem:s0+$0x4270] =	vst v15  }
0xd6: {  	v17 =	vld [tilespmem:s3+$0x4270]  }
0xd7: {  	v4 =	vadd.f32 v4, v12  }
0xd8: {  	v5 =	vadd.f32 v5, v14  }
0xd9: {  	v8 =	vadd.f32 v8, v16;
	v12 =	vmul.f32 $2.000000030e-01, v4  }
0xda: {  	v14 =	vmul.f32 $2.000000030e-01, v5  }
0xdb: {  	v10 =	vadd.f32 v10, v17;
	v4 =	vmax.f32 v4, v12;
	v58 =	vmul.f32 $2.000000030e-01, v8  }
0xdc: {  	v4 =	vsub.f32 v4, v0;
	v5 =	vmax.f32 v5, v14  }
0xdd: {  	v59 =	vmul.f32 $2.000000030e-01, v10;
	v5 =	vsub.f32 v5, v1;
	v8 =	vmax.f32 v8, v58  }
0xde: {  	v4 =	vmul.f32 $1.442695020e+00, v4;
	v8 =	vsub.f32 v8, v2  }
0xdf: {  	v11 =	vmul.f32 v13, v11;
	v10 =	vmax.f32 v10, v59;
	v5 =	vmul.f32 $1.442695020e+00, v5  }
0xe0: {  	v10 =	vsub.f32 v10, v3;
	v8 =	vmul.f32 $1.442695020e+00, v8;
	(erf) = vpow2.f32 v4  }
0xe1: {  	(erf) = vpow2.f32 v5  }
0xe2: {  	[tilespmem:s0+$0x4220] =	vst v11;
	v4 =	vmul.f32 $1.442695020e+00, v10;
	(erf) = vpow2.f32 v8  }
0xe3: {  	v7 =	vmul.f32 v15, v7;
	[tilespmem:s0+$0x4210] =	vst v9  }
0xe4: {  	[tilespmem:s0+$0x4200] =	vst v6;
	(erf) = vpow2.f32 v4  }
0xe5: {  	[tilespmem:s0+$0x4230] =	vst v7  }
0xe6: {  	v4 =	vld [tilespmem:s3+$0x4200];
	_ =	sdelay $0x1  }
0xe7: {  	v7 =	vld [tilespmem:s3+$0x4210]  }
0xe8: {  	v5 =	vld [tilespmem:s3+$0x4220];
	v60 =	vpop (erf)  }
0xe9: {  	v6 =	vld [tilespmem:s3+$0x4230];
	[tilespmem:s3+$0x4240] =	vst v60;
	v61 =	vpop (erf)  }
0xea: {  	v4 =	vmul.f32 v60, v4;
	[tilespmem:s3+$0x4250] =	vst v61;
	v62 =	vpop (erf)  }
0xeb: {  	s31 =	sadd.s32 $0x1, s31;
	[tilespmem:s3+$0x4260] =	vst v62  }
0xec: {  	p0 =	sne.s32 s31, $0x51;
	v7 =	vmul.f32 v61, v7;
	v63 =	vpop (erf);
	[tilespmem:s3+$0x4200] =	vst v4  }
.Ltmp2:
0xed: {  	v5 =	vmul.f32 v62, v5;
	[tilespmem:s3+$0x4270] =	vst v63;
	(pc) =	sbr.rel @p0 .LBB2_2-.Ltmp2, $4  }
0xee: {  	v6 =	vmul.f32 v63, v6;
	[tilespmem:s3+$0x4210] =	vst v7  }
0xef: {  	[tilespmem:s3+$0x4220] =	vst v5  }
0xf0: {  	[tilespmem:s3+$0x4230] =	vst v6  }
0xf1: {  	[spmem:s2] =	stream.indirect.scatter.add.f32 [tilespmem:s22], [sflag:$0x4], $0x80, s28, s24, $0xb8;
	[tilespmem:$0x1BE80] =	vst v63  }
0xf2: {  	_ =	swait.ge [sflag:s29], $0x400  }
0xf3: {  	[sflag:s29] =	ssyncset.done $0x0  }
0xf4: {  	[sflag:s29] =	ssyncadd.s32 $0xFFFFFC00  }
0xf5: {  	_ =	swait.ge [sflag:s21], $0x4000  }
0xf6: {  	s30 =	sadd.s32 $0x1, s30;
	[sflag:s21] =	ssyncset.done $0x0  }
0xf7: {  	p0 =	sne.s32 s30, s15;
	[sflag:s21] =	ssyncadd.s32 $0xFFFFC000  }
.Ltmp3:
0xf8: {  	[bflag:$0x0] =	sbarrier.arrive $0xFFFF;
	(pc) =	sbr.rel @p0 .LBB2_1-.Ltmp3, $4  }
0xf9: {  	[hbm:s14], [sflag:s10] =	dma.local [spmem:s16], $0x2780  }
0xfa: {  	_ =	swait.ge [sflag:s17], $0x2780  }
0xfb: {  	[sflag:s17] =	ssyncset.done $0x0  }
0xfc: {  	[sflag:s17] =	ssyncadd.s32 $0xFFFFD880  }
0xfd: {  	_ =	sfence.sel $0x180000  }
0xfe: {  	[bflag:$0x0] =	sbarrier.arrive $0xFFFF  }
0xff: {  	_ =	strace $0x90000047  }
0x100: {  	s0 =	stileid.u32;
	[bflag:$0x2] =	sbarrier.arrive $0xFFFF  }
0x101: {  	p0 =	sne.s32 s0, $0x0;
	s0 =	rddreg [dreg:$0x3]  }
0x102: {  	s0 =	sadd.s32 @!p0 $0x100000, s0  }
0x103: {  	[sflag:s0] =	ssyncadd.tile.s32 @!p0 $0x1;
	_ =	shalt  }
.Lfunc_end2:
_tile_overlayer_lowered:
.L_overlay_start_2:
0x104: {  	(tag) =	ssettag $0x2  }
0x105: {  	s0 =	rddreg [dreg:$0x0];
	s2 =	stileid.u32  }
0x106: {  	s1 =	rddreg [dreg:$0x1];
	p0 =	sne.s32 s2, $0x0  }
0x107: {  	s3 =	rddreg [dreg:$0x2];
	[bflag:$0x3] =	sbarrier.arrive $0xFFFF;
	s2 =	simm.s32 @!p0 $0x1C05  }
0x108: {  	[timem:s3], [sflag:s2] =	dma.local @!p0 [hbm:s0], s1  }
0x109: {  	s0 =	simm.s32 @!p0 $0x5  }
0x10a: {  	_ =	swait.ge @!p0 [sflag:s0], s1  }
0x10b: {  	s1 =	ssub.s32 @!p0 $0x0, s1;
	[sflag:s0] =	ssyncset.done @!p0 $0x0  }
0x10c: {  	[sflag:s0] =	ssyncadd.s32 @!p0 s1  }
0x10d: {  	[bflag:$0x3] =	sbarrier.arrive $0xFFFF  }
0x10e: {  	_ =	shalt  }

</sc_bundles>
